<compile_context>
chip_gen: v7x
topology: tpu7x:2x2x1
jax: 0.10.2.dev20260603
libtpu: 0.0.44.dev20260713+nightly
codegen_flags: <defaults>
</compile_context>

<pallas_src>
import functools

import jax
import jax.numpy as jnp
from jax import lax
from jax.experimental import pallas as pl
from jax.experimental.pallas import tpu as pltpu
from jax.experimental.pallas import tpu_sc as plsc

VOCAB = 1000
B, T = 1024, 50
N = B * T
NC, NS, L = 2, 16, 16
NW = NC * NS
PER_W = N // NW
K = 8
NB = 5
LAG = 2
NCHUNK = PER_W // K
NITER = NCHUNK // NB


def _lse_body(tab_ref, out_ref):
    x = tab_ref[...]
    m = jnp.max(x, axis=1)
    s = jnp.sum(jnp.exp(x - m[:, None]), axis=1)
    out_ref[...] = m + jnp.log(s)


def _row_lse(table):
    return pl.pallas_call(
        _lse_body,
        out_shape=jax.ShapeDtypeStruct((VOCAB,), jnp.float32),
    )(table)


def _flatten(table):
    return jnp.pad(table.reshape(VOCAB * VOCAB), (0, 8))


_sc_mesh = plsc.VectorSubcoreMesh(core_axis_name="c", subcore_axis_name="s")


@functools.partial(
    pl.kernel,
    mesh=_sc_mesh,
    compiler_params=pltpu.CompilerParams(use_tc_tiling_on_sc=False),
    out_type=[
        jax.ShapeDtypeStruct((N, VOCAB), jnp.float32),
        jax.ShapeDtypeStruct((NW, L), jnp.float32),
    ],
    scratch_types=[
        pltpu.VMEM((PER_W,), jnp.int32),
        pltpu.VMEM((PER_W,), jnp.int32),
        [pltpu.VMEM((K, VOCAB), jnp.float32)] * NB,
        pltpu.VMEM((PER_W,), jnp.float32),
        pltpu.VMEM((PER_W,), jnp.float32),
        pltpu.VMEM((L,), jnp.float32),
        pltpu.VMEM_SHARED((VOCAB, VOCAB), jnp.float32),
        [pltpu.SemaphoreType.DMA] * NB,
        [pltpu.SemaphoreType.DMA] * NB,
        pltpu.SemaphoreType.DMA,
        pltpu.SemaphoreType.DMA,
    ],
)
def _sc_gather_loss(table_hbm, tabflat_hbm, idx_hbm, pick_hbm, lse_hbm,
                    out_hbm, part_hbm,
                    idx_a, pick_a, rows, lsev_v, picked_v, part_v, tab_sp,
                    gsem, wsem, psem, lsem):
    wid = lax.axis_index("s") * NC + lax.axis_index("c")
    sid = lax.axis_index("s")
    base = wid * PER_W
    @pl.when(sid < 8)
    def _():
        r0 = sid * (VOCAB // 8)
        pltpu.sync_copy(table_hbm.at[pl.ds(r0, VOCAB // 8)],
                        tab_sp.at[pl.ds(r0, VOCAB // 8)])
    pltpu.sync_copy(idx_hbm.at[pl.ds(base, PER_W)], idx_a)
    pltpu.sync_copy(pick_hbm.at[pl.ds(base, PER_W)], pick_a)
    pltpu.async_copy(lse_hbm.at[idx_a], lsev_v, lsem)
    pltpu.async_copy(tabflat_hbm.at[pick_a], picked_v, psem)
    plsc.subcore_barrier()

    def gather(c, b):
        pltpu.async_copy(tab_sp.at[idx_a.at[pl.ds(c * K, K)]],
                         rows[b], gsem[b])

    def wait_gather(c, b):
        pltpu.make_async_copy(tab_sp.at[idx_a.at[pl.ds(c * K, K)]],
                              rows[b], gsem[b]).wait()

    def write(c, b):
        pltpu.async_copy(rows[b], out_hbm.at[pl.ds(base + c * K, K)],
                         wsem[b])

    def wait_write(c, b):
        pltpu.make_async_copy(rows[b], out_hbm.at[pl.ds(base + c * K, K)],
                              wsem[b]).wait()

    for g in range(LAG):
        gather(g, g)
    for c in range(NB):
        wait_gather(c, c)
        write(c, c)
        if c + LAG >= NB:
            wait_write(c + LAG - NB, (c + LAG) % NB)
        gather(c + LAG, (c + LAG) % NB)

    def step(i, carry):
        for b in range(NB):
            c = i * NB + b
            wait_gather(c, b)
            write(c, b)
            pb = (b + LAG) % NB
            wait_write(c + LAG - NB, pb)
            @pl.when(c + LAG < NCHUNK)
            def _():
                gather(c + LAG, pb)
        return carry

    lax.fori_loop(1, NITER, step, jnp.int32(0))
    for c in range(NCHUNK - (NB - LAG), NCHUNK):
        wait_write(c, c % NB)

    pltpu.make_async_copy(lse_hbm.at[idx_a], lsev_v, lsem).wait()
    pltpu.make_async_copy(tabflat_hbm.at[pick_a], picked_v, psem).wait()

    def red(j, acc):
        return acc + (lsev_v[pl.ds(j * L, L)] - picked_v[pl.ds(j * L, L)])

    acc = lax.fori_loop(0, PER_W // L, red, jnp.zeros((L,), jnp.float32))
    part_v[...] = acc
    pltpu.sync_copy(part_v, part_hbm.at[wid])


def kernel(idx, targets, token_embedding_table):
    table = token_embedding_table.astype(jnp.float32)
    idx32 = idx.reshape(N).astype(jnp.int32)
    tgt32 = targets.reshape(N).astype(jnp.int32)
    pick32 = idx32 * VOCAB + tgt32
    lse = _row_lse(table)
    tabflat = _flatten(table)
    logits_flat, partials = _sc_gather_loss(
        table, tabflat, idx32, pick32, lse)
    loss = jnp.sum(partials) / jnp.float32(N)
    return logits_flat.reshape(B, T, VOCAB), loss

# --- scband reference (transcript-rebuilt; emitter-appended) ---
"""Pipeline reference for scband-bigram-language-model-17815524343914 (READ-ONLY COPY).

The authoritative reference and input builder live on the scoring server;
editing this copy changes nothing except your own understanding.
"""

import jax, jax.numpy as jnp
import numpy as np

VOCAB = 1000
B, T = 1024, 50


def setup_inputs(seed: int = 0) -> dict:
    key = jax.random.key(seed)
    k1, k2, k3 = jax.random.split(key, 3)
    idx = jax.random.randint(k1, (B, T), 0, VOCAB, dtype=jnp.int64 if jax.config.jax_enable_x64 else jnp.int32)
    targets = jax.random.randint(k2, (B, T), 0, VOCAB, dtype=jnp.int64 if jax.config.jax_enable_x64 else jnp.int32)
    table = jax.random.normal(k3, (VOCAB, VOCAB), dtype=jnp.float32)
    return {"idx": idx, "targets": targets, "token_embedding_table": table}


def _cross_entropy(logits, targets):
    # logits: (N, C), targets: (N,) int. Mean reduction, matching F.cross_entropy.
    logp = jax.nn.log_softmax(logits, axis=-1)
    nll = -jnp.take_along_axis(logp, targets[:, None], axis=-1)[:, 0]
    return jnp.mean(nll)


def reference(idx, targets, token_embedding_table):
    # Embedding lookup: (B, T) -> (B, T, C)
    logits = jnp.take(token_embedding_table, idx, axis=0)
    Bv, Tv, C = logits.shape
    logits2d = logits.reshape(Bv * Tv, C)
    tgt = targets.reshape(Bv * Tv)
    loss = _cross_entropy(logits2d, tgt)
    return (logits, loss)

if __name__ == "__main__":
    import jax
    _d = setup_inputs()
    print(jax.jit(kernel)(*tuple(_d.values())))

</pallas_src>

<mosaic_0001>
#map = affine_map<(d0, d1) -> (0, 0)>
#map1 = affine_map<(d0, d1) -> (0)>
module attributes {stable_mosaic.version = 14 : i64} {
  func.func @_sc_gather_loss(%arg0: i32, %arg1: i32, %arg2: memref<1000x1000xf32, #tpu.memory_space<hbm>>, %arg3: memref<1000008xf32, #tpu.memory_space<hbm>>, %arg4: memref<51200xi32, #tpu.memory_space<hbm>>, %arg5: memref<51200xi32, #tpu.memory_space<hbm>>, %arg6: memref<1000xf32, #tpu.memory_space<hbm>>, %arg7: memref<51200x1000xf32, #tpu.memory_space<hbm>>, %arg8: memref<32x16xf32, #tpu.memory_space<hbm>>, %arg9: memref<1600xi32, #tpu.memory_space<vmem>>, %arg10: memref<1600xi32, #tpu.memory_space<vmem>>, %arg11: memref<8x1000xf32, #tpu.memory_space<vmem>>, %arg12: memref<8x1000xf32, #tpu.memory_space<vmem>>, %arg13: memref<8x1000xf32, #tpu.memory_space<vmem>>, %arg14: memref<8x1000xf32, #tpu.memory_space<vmem>>, %arg15: memref<8x1000xf32, #tpu.memory_space<vmem>>, %arg16: memref<1600xf32, #tpu.memory_space<vmem>>, %arg17: memref<1600xf32, #tpu.memory_space<vmem>>, %arg18: memref<16xf32, #tpu.memory_space<vmem>>, %arg19: memref<1000x1000xf32, #tpu.memory_space<vmem_shared>>, %arg20: memref<!tpu.dma_semaphore, #tpu.memory_space<semaphore_mem>>, %arg21: memref<!tpu.dma_semaphore, #tpu.memory_space<semaphore_mem>>, %arg22: memref<!tpu.dma_semaphore, #tpu.memory_space<semaphore_mem>>, %arg23: memref<!tpu.dma_semaphore, #tpu.memory_space<semaphore_mem>>, %arg24: memref<!tpu.dma_semaphore, #tpu.memory_space<semaphore_mem>>, %arg25: memref<!tpu.dma_semaphore, #tpu.memory_space<semaphore_mem>>, %arg26: memref<!tpu.dma_semaphore, #tpu.memory_space<semaphore_mem>>, %arg27: memref<!tpu.dma_semaphore, #tpu.memory_space<semaphore_mem>>, %arg28: memref<!tpu.dma_semaphore, #tpu.memory_space<semaphore_mem>>, %arg29: memref<!tpu.dma_semaphore, #tpu.memory_space<semaphore_mem>>, %arg30: memref<!tpu.dma_semaphore, #tpu.memory_space<semaphore_mem>>, %arg31: memref<!tpu.dma_semaphore, #tpu.memory_space<semaphore_mem>>) attributes {dimension_semantics = [#tpu.dimension_semantics<core_parallel>, #tpu.dimension_semantics<subcore_parallel>], iteration_bounds = array<i64: 2, 16>, scalar_prefetch = 0 : i64, scratch_operands = 23 : i64, tpu.core_type = #tpu.core_type<sc_vector_subcore>, window_params = [{transform_indices = #map}, {transform_indices = #map1}, {transform_indices = #map1}, {transform_indices = #map1}, {transform_indices = #map1}, {transform_indices = #map}, {transform_indices = #map}]} {
    %mul3A = arith.constant 2 : i32
    %mul3A_0 = arith.muli %arg1, %mul3A : i32
    %add3A = arith.addi %mul3A_0, %arg0 : i32
    %mul3A_1 = arith.constant 1600 : i32
    %mul3A_2 = arith.muli %add3A, %mul3A_1 : i32
    %lt3A = arith.constant 8 : i32
    %lt3A_3 = arith.cmpi slt, %arg1, %lt3A : i32
    %convert_element_type3A = arith.extui %lt3A_3 : i1 to i32
    %cond3A = arith.constant 0 : i32
    %cond3A_4 = arith.cmpi ne, %convert_element_type3A, %cond3A : i32
    scf.if %cond3A_4 {
      %mul3A_146 = arith.constant 125 : i32
      %mul3A_147 = arith.muli %arg1, %mul3A_146 : i32
      "tpu.region"() ({
        %run_scoped3A = tpu.sem_alloc : memref<!tpu.dma_semaphore, #tpu.memory_space<semaphore_mem>>
        %dma_start3A_148 = arith.constant 0 : i32
        %dma_start3A_149 = tpu.memref_slice %arg19[%mul3A_147, %dma_start3A_148] : memref<1000x1000xf32, #tpu.memory_space<vmem_shared>> -> memref<125x1000xf32, #tpu.memory_space<vmem_shared>>
        %dma_start3A_150 = arith.constant 0 : i32
        %dma_start3A_151 = tpu.memref_slice %arg2[%mul3A_147, %dma_start3A_150] : memref<1000x1000xf32, #tpu.memory_space<hbm>> -> memref<125x1000xf32, #tpu.memory_space<hbm>>
        tpu.enqueue_dma source(%dma_start3A_151 : memref<125x1000xf32, #tpu.memory_space<hbm>>) target(%dma_start3A_149 : memref<125x1000xf32, #tpu.memory_space<vmem_shared>>) target_semaphore(%run_scoped3A : memref<!tpu.dma_semaphore, #tpu.memory_space<semaphore_mem>>)
        %dma_wait3A_152 = arith.constant 0 : i32
        %dma_wait3A_153 = tpu.memref_slice %arg19[%mul3A_147, %dma_wait3A_152] : memref<1000x1000xf32, #tpu.memory_space<vmem_shared>> -> memref<125x1000xf32, #tpu.memory_space<vmem_shared>>
        %dma_wait3A_154 = arith.constant 0 : i32
        %dma_wait3A_155 = tpu.memref_slice %arg2[%mul3A_147, %dma_wait3A_154] : memref<1000x1000xf32, #tpu.memory_space<hbm>> -> memref<125x1000xf32, #tpu.memory_space<hbm>>
        tpu.wait_dma2 semaphore(%run_scoped3A : memref<!tpu.dma_semaphore, #tpu.memory_space<semaphore_mem>>) src(%dma_wait3A_155 : memref<125x1000xf32, #tpu.memory_space<hbm>>) dst(%dma_wait3A_153 : memref<125x1000xf32, #tpu.memory_space<vmem_shared>>)
        tpu.yield
      }) : () -> ()
    } else {
    }
    "tpu.region"() ({
      %run_scoped3A = tpu.sem_alloc : memref<!tpu.dma_semaphore, #tpu.memory_space<semaphore_mem>>
      %dma_start3A_146 = tpu.memref_slice %arg4[%mul3A_2] : memref<51200xi32, #tpu.memory_space<hbm>> -> memref<1600xi32, #tpu.memory_space<hbm>>
      %dma_start3A_147 = tpu.memref_slice %arg4[%mul3A_2] : memref<51200xi32, #tpu.memory_space<hbm>> -> memref<1600xi32, #tpu.memory_space<hbm>>
      tpu.enqueue_dma source(%dma_start3A_147 : memref<1600xi32, #tpu.memory_space<hbm>>) target(%arg9 : memref<1600xi32, #tpu.memory_space<vmem>>) target_semaphore(%run_scoped3A : memref<!tpu.dma_semaphore, #tpu.memory_space<semaphore_mem>>)
      %dma_wait3A_148 = tpu.memref_slice %arg4[%mul3A_2] : memref<51200xi32, #tpu.memory_space<hbm>> -> memref<1600xi32, #tpu.memory_space<hbm>>
      %dma_wait3A_149 = tpu.memref_slice %arg4[%mul3A_2] : memref<51200xi32, #tpu.memory_space<hbm>> -> memref<1600xi32, #tpu.memory_space<hbm>>
      tpu.wait_dma2 semaphore(%run_scoped3A : memref<!tpu.dma_semaphore, #tpu.memory_space<semaphore_mem>>) src(%dma_wait3A_149 : memref<1600xi32, #tpu.memory_space<hbm>>) dst(%arg9 : memref<1600xi32, #tpu.memory_space<vmem>>)
      tpu.yield
    }) : () -> ()
    "tpu.region"() ({
      %run_scoped3A = tpu.sem_alloc : memref<!tpu.dma_semaphore, #tpu.memory_space<semaphore_mem>>
      %dma_start3A_146 = tpu.memref_slice %arg5[%mul3A_2] : memref<51200xi32, #tpu.memory_space<hbm>> -> memref<1600xi32, #tpu.memory_space<hbm>>
      %dma_start3A_147 = tpu.memref_slice %arg5[%mul3A_2] : memref<51200xi32, #tpu.memory_space<hbm>> -> memref<1600xi32, #tpu.memory_space<hbm>>
      tpu.enqueue_dma source(%dma_start3A_147 : memref<1600xi32, #tpu.memory_space<hbm>>) target(%arg10 : memref<1600xi32, #tpu.memory_space<vmem>>) target_semaphore(%run_scoped3A : memref<!tpu.dma_semaphore, #tpu.memory_space<semaphore_mem>>)
      %dma_wait3A_148 = tpu.memref_slice %arg5[%mul3A_2] : memref<51200xi32, #tpu.memory_space<hbm>> -> memref<1600xi32, #tpu.memory_space<hbm>>
      %dma_wait3A_149 = tpu.memref_slice %arg5[%mul3A_2] : memref<51200xi32, #tpu.memory_space<hbm>> -> memref<1600xi32, #tpu.memory_space<hbm>>
      tpu.wait_dma2 semaphore(%run_scoped3A : memref<!tpu.dma_semaphore, #tpu.memory_space<semaphore_mem>>) src(%dma_wait3A_149 : memref<1600xi32, #tpu.memory_space<hbm>>) dst(%arg10 : memref<1600xi32, #tpu.memory_space<vmem>>)
      tpu.yield
    }) : () -> ()
    %dma_start3A = arith.constant 0 : i32
    %dma_start3A_5 = tpu.memref_slice %arg6[%dma_start3A] : memref<1000xf32, #tpu.memory_space<hbm>> -> memref<1000xf32, #tpu.memory_space<hbm>>
    tpu.enqueue_indirect_dma source(%dma_start3A_5 : memref<1000xf32, #tpu.memory_space<hbm>>) target(%arg16 : memref<1600xf32, #tpu.memory_space<vmem>>) offsets(%arg9 : memref<1600xi32, #tpu.memory_space<vmem>>) semaphore(%arg31 : memref<!tpu.dma_semaphore, #tpu.memory_space<semaphore_mem>>)
    %dma_start3A_6 = arith.constant 0 : i32
    %dma_start3A_7 = tpu.memref_slice %arg3[%dma_start3A_6] : memref<1000008xf32, #tpu.memory_space<hbm>> -> memref<1000008xf32, #tpu.memory_space<hbm>>
    tpu.enqueue_indirect_dma source(%dma_start3A_7 : memref<1000008xf32, #tpu.memory_space<hbm>>) target(%arg17 : memref<1600xf32, #tpu.memory_space<vmem>>) offsets(%arg10 : memref<1600xi32, #tpu.memory_space<vmem>>) semaphore(%arg30 : memref<!tpu.dma_semaphore, #tpu.memory_space<semaphore_mem>>)
    %barrier3A = arith.constant 0 : index
    tpu.barrier barrier_id(%barrier3A)
    %dma_start3A_8 = arith.constant 0 : i32
    %dma_start3A_9 = tpu.memref_slice %arg9[%dma_start3A_8] : memref<1600xi32, #tpu.memory_space<vmem>> -> memref<8xi32, #tpu.memory_space<vmem>>
    %dma_start3A_10 = arith.constant 0 : i32
    %dma_start3A_11 = arith.constant 0 : i32
    %dma_start3A_12 = tpu.memref_slice %arg19[%dma_start3A_10, %dma_start3A_11] : memref<1000x1000xf32, #tpu.memory_space<vmem_shared>> -> memref<1000x1000xf32, #tpu.memory_space<vmem_shared>>
    tpu.enqueue_indirect_dma source(%dma_start3A_12 : memref<1000x1000xf32, #tpu.memory_space<vmem_shared>>) target(%arg11 : memref<8x1000xf32, #tpu.memory_space<vmem>>) offsets(%dma_start3A_9 : memref<8xi32, #tpu.memory_space<vmem>>) semaphore(%arg20 : memref<!tpu.dma_semaphore, #tpu.memory_space<semaphore_mem>>)
    %dma_start3A_13 = arith.constant 8 : i32
    %dma_start3A_14 = tpu.memref_slice %arg9[%dma_start3A_13] : memref<1600xi32, #tpu.memory_space<vmem>> -> memref<8xi32, #tpu.memory_space<vmem>>
    %dma_start3A_15 = arith.constant 0 : i32
    %dma_start3A_16 = arith.constant 0 : i32
    %dma_start3A_17 = tpu.memref_slice %arg19[%dma_start3A_15, %dma_start3A_16] : memref<1000x1000xf32, #tpu.memory_space<vmem_shared>> -> memref<1000x1000xf32, #tpu.memory_space<vmem_shared>>
    tpu.enqueue_indirect_dma source(%dma_start3A_17 : memref<1000x1000xf32, #tpu.memory_space<vmem_shared>>) target(%arg12 : memref<8x1000xf32, #tpu.memory_space<vmem>>) offsets(%dma_start3A_14 : memref<8xi32, #tpu.memory_space<vmem>>) semaphore(%arg21 : memref<!tpu.dma_semaphore, #tpu.memory_space<semaphore_mem>>)
    %dma_wait3A = arith.constant 0 : i32
    %dma_wait3A_18 = tpu.memref_slice %arg9[%dma_wait3A] : memref<1600xi32, #tpu.memory_space<vmem>> -> memref<8xi32, #tpu.memory_space<vmem>>
    %dma_wait3A_19 = arith.constant 0 : i32
    %dma_wait3A_20 = arith.constant 0 : i32
    %dma_wait3A_21 = tpu.memref_slice %arg19[%dma_wait3A_19, %dma_wait3A_20] : memref<1000x1000xf32, #tpu.memory_space<vmem_shared>> -> memref<1000x1000xf32, #tpu.memory_space<vmem_shared>>
    tpu.wait_indirect_dma semaphore(%arg20 : memref<!tpu.dma_semaphore, #tpu.memory_space<semaphore_mem>>) src(%dma_wait3A_21 : memref<1000x1000xf32, #tpu.memory_space<vmem_shared>>) dst(%arg11 : memref<8x1000xf32, #tpu.memory_space<vmem>>)
    %add3A_22 = arith.constant 0 : i32
    %add3A_23 = arith.addi %mul3A_2, %add3A_22 : i32
    %dma_start3A_24 = arith.constant 0 : i32
    %dma_start3A_25 = tpu.memref_slice %arg7[%add3A_23, %dma_start3A_24] : memref<51200x1000xf32, #tpu.memory_space<hbm>> -> memref<8x1000xf32, #tpu.memory_space<hbm>>
    %dma_start3A_26 = arith.constant 0 : i32
    %dma_start3A_27 = tpu.memref_slice %arg7[%add3A_23, %dma_start3A_26] : memref<51200x1000xf32, #tpu.memory_space<hbm>> -> memref<8x1000xf32, #tpu.memory_space<hbm>>
    tpu.enqueue_dma source(%arg11 : memref<8x1000xf32, #tpu.memory_space<vmem>>) target(%dma_start3A_27 : memref<8x1000xf32, #tpu.memory_space<hbm>>) target_semaphore(%arg25 : memref<!tpu.dma_semaphore, #tpu.memory_space<semaphore_mem>>)
    %dma_start3A_28 = arith.constant 16 : i32
    %dma_start3A_29 = tpu.memref_slice %arg9[%dma_start3A_28] : memref<1600xi32, #tpu.memory_space<vmem>> -> memref<8xi32, #tpu.memory_space<vmem>>
    %dma_start3A_30 = arith.constant 0 : i32
    %dma_start3A_31 = arith.constant 0 : i32
    %dma_start3A_32 = tpu.memref_slice %arg19[%dma_start3A_30, %dma_start3A_31] : memref<1000x1000xf32, #tpu.memory_space<vmem_shared>> -> memref<1000x1000xf32, #tpu.memory_space<vmem_shared>>
    tpu.enqueue_indirect_dma source(%dma_start3A_32 : memref<1000x1000xf32, #tpu.memory_space<vmem_shared>>) target(%arg13 : memref<8x1000xf32, #tpu.memory_space<vmem>>) offsets(%dma_start3A_29 : memref<8xi32, #tpu.memory_space<vmem>>) semaphore(%arg22 : memref<!tpu.dma_semaphore, #tpu.memory_space<semaphore_mem>>)
    %dma_wait3A_33 = arith.constant 8 : i32
    %dma_wait3A_34 = tpu.memref_slice %arg9[%dma_wait3A_33] : memref<1600xi32, #tpu.memory_space<vmem>> -> memref<8xi32, #tpu.memory_space<vmem>>
    %dma_wait3A_35 = arith.constant 0 : i32
    %dma_wait3A_36 = arith.constant 0 : i32
    %dma_wait3A_37 = tpu.memref_slice %arg19[%dma_wait3A_35, %dma_wait3A_36] : memref<1000x1000xf32, #tpu.memory_space<vmem_shared>> -> memref<1000x1000xf32, #tpu.memory_space<vmem_shared>>
    tpu.wait_indirect_dma semaphore(%arg21 : memref<!tpu.dma_semaphore, #tpu.memory_space<semaphore_mem>>) src(%dma_wait3A_37 : memref<1000x1000xf32, #tpu.memory_space<vmem_shared>>) dst(%arg12 : memref<8x1000xf32, #tpu.memory_space<vmem>>)
    %add3A_38 = arith.constant 8 : i32
    %add3A_39 = arith.addi %mul3A_2, %add3A_38 : i32
    %dma_start3A_40 = arith.constant 0 : i32
    %dma_start3A_41 = tpu.memref_slice %arg7[%add3A_39, %dma_start3A_40] : memref<51200x1000xf32, #tpu.memory_space<hbm>> -> memref<8x1000xf32, #tpu.memory_space<hbm>>
    %dma_start3A_42 = arith.constant 0 : i32
    %dma_start3A_43 = tpu.memref_slice %arg7[%add3A_39, %dma_start3A_42] : memref<51200x1000xf32, #tpu.memory_space<hbm>> -> memref<8x1000xf32, #tpu.memory_space<hbm>>
    tpu.enqueue_dma source(%arg12 : memref<8x1000xf32, #tpu.memory_space<vmem>>) target(%dma_start3A_43 : memref<8x1000xf32, #tpu.memory_space<hbm>>) target_semaphore(%arg26 : memref<!tpu.dma_semaphore, #tpu.memory_space<semaphore_mem>>)
    %dma_start3A_44 = arith.constant 24 : i32
    %dma_start3A_45 = tpu.memref_slice %arg9[%dma_start3A_44] : memref<1600xi32, #tpu.memory_space<vmem>> -> memref<8xi32, #tpu.memory_space<vmem>>
    %dma_start3A_46 = arith.constant 0 : i32
    %dma_start3A_47 = arith.constant 0 : i32
    %dma_start3A_48 = tpu.memref_slice %arg19[%dma_start3A_46, %dma_start3A_47] : memref<1000x1000xf32, #tpu.memory_space<vmem_shared>> -> memref<1000x1000xf32, #tpu.memory_space<vmem_shared>>
    tpu.enqueue_indirect_dma source(%dma_start3A_48 : memref<1000x1000xf32, #tpu.memory_space<vmem_shared>>) target(%arg14 : memref<8x1000xf32, #tpu.memory_space<vmem>>) offsets(%dma_start3A_45 : memref<8xi32, #tpu.memory_space<vmem>>) semaphore(%arg23 : memref<!tpu.dma_semaphore, #tpu.memory_space<semaphore_mem>>)
    %dma_wait3A_49 = arith.constant 16 : i32
    %dma_wait3A_50 = tpu.memref_slice %arg9[%dma_wait3A_49] : memref<1600xi32, #tpu.memory_space<vmem>> -> memref<8xi32, #tpu.memory_space<vmem>>
    %dma_wait3A_51 = arith.constant 0 : i32
    %dma_wait3A_52 = arith.constant 0 : i32
    %dma_wait3A_53 = tpu.memref_slice %arg19[%dma_wait3A_51, %dma_wait3A_52] : memref<1000x1000xf32, #tpu.memory_space<vmem_shared>> -> memref<1000x1000xf32, #tpu.memory_space<vmem_shared>>
    tpu.wait_indirect_dma semaphore(%arg22 : memref<!tpu.dma_semaphore, #tpu.memory_space<semaphore_mem>>) src(%dma_wait3A_53 : memref<1000x1000xf32, #tpu.memory_space<vmem_shared>>) dst(%arg13 : memref<8x1000xf32, #tpu.memory_space<vmem>>)
    %add3A_54 = arith.constant 16 : i32
    %add3A_55 = arith.addi %mul3A_2, %add3A_54 : i32
    %dma_start3A_56 = arith.constant 0 : i32
    %dma_start3A_57 = tpu.memref_slice %arg7[%add3A_55, %dma_start3A_56] : memref<51200x1000xf32, #tpu.memory_space<hbm>> -> memref<8x1000xf32, #tpu.memory_space<hbm>>
    %dma_start3A_58 = arith.constant 0 : i32
    %dma_start3A_59 = tpu.memref_slice %arg7[%add3A_55, %dma_start3A_58] : memref<51200x1000xf32, #tpu.memory_space<hbm>> -> memref<8x1000xf32, #tpu.memory_space<hbm>>
    tpu.enqueue_dma source(%arg13 : memref<8x1000xf32, #tpu.memory_space<vmem>>) target(%dma_start3A_59 : memref<8x1000xf32, #tpu.memory_space<hbm>>) target_semaphore(%arg27 : memref<!tpu.dma_semaphore, #tpu.memory_space<semaphore_mem>>)
    %dma_start3A_60 = arith.constant 32 : i32
    %dma_start3A_61 = tpu.memref_slice %arg9[%dma_start3A_60] : memref<1600xi32, #tpu.memory_space<vmem>> -> memref<8xi32, #tpu.memory_space<vmem>>
    %dma_start3A_62 = arith.constant 0 : i32
    %dma_start3A_63 = arith.constant 0 : i32
    %dma_start3A_64 = tpu.memref_slice %arg19[%dma_start3A_62, %dma_start3A_63] : memref<1000x1000xf32, #tpu.memory_space<vmem_shared>> -> memref<1000x1000xf32, #tpu.memory_space<vmem_shared>>
    tpu.enqueue_indirect_dma source(%dma_start3A_64 : memref<1000x1000xf32, #tpu.memory_space<vmem_shared>>) target(%arg15 : memref<8x1000xf32, #tpu.memory_space<vmem>>) offsets(%dma_start3A_61 : memref<8xi32, #tpu.memory_space<vmem>>) semaphore(%arg24 : memref<!tpu.dma_semaphore, #tpu.memory_space<semaphore_mem>>)
    %dma_wait3A_65 = arith.constant 24 : i32
    %dma_wait3A_66 = tpu.memref_slice %arg9[%dma_wait3A_65] : memref<1600xi32, #tpu.memory_space<vmem>> -> memref<8xi32, #tpu.memory_space<vmem>>
    %dma_wait3A_67 = arith.constant 0 : i32
    %dma_wait3A_68 = arith.constant 0 : i32
    %dma_wait3A_69 = tpu.memref_slice %arg19[%dma_wait3A_67, %dma_wait3A_68] : memref<1000x1000xf32, #tpu.memory_space<vmem_shared>> -> memref<1000x1000xf32, #tpu.memory_space<vmem_shared>>
    tpu.wait_indirect_dma semaphore(%arg23 : memref<!tpu.dma_semaphore, #tpu.memory_space<semaphore_mem>>) src(%dma_wait3A_69 : memref<1000x1000xf32, #tpu.memory_space<vmem_shared>>) dst(%arg14 : memref<8x1000xf32, #tpu.memory_space<vmem>>)
    %add3A_70 = arith.constant 24 : i32
    %add3A_71 = arith.addi %mul3A_2, %add3A_70 : i32
    %dma_start3A_72 = arith.constant 0 : i32
    %dma_start3A_73 = tpu.memref_slice %arg7[%add3A_71, %dma_start3A_72] : memref<51200x1000xf32, #tpu.memory_space<hbm>> -> memref<8x1000xf32, #tpu.memory_space<hbm>>
    %dma_start3A_74 = arith.constant 0 : i32
    %dma_start3A_75 = tpu.memref_slice %arg7[%add3A_71, %dma_start3A_74] : memref<51200x1000xf32, #tpu.memory_space<hbm>> -> memref<8x1000xf32, #tpu.memory_space<hbm>>
    tpu.enqueue_dma source(%arg14 : memref<8x1000xf32, #tpu.memory_space<vmem>>) target(%dma_start3A_75 : memref<8x1000xf32, #tpu.memory_space<hbm>>) target_semaphore(%arg28 : memref<!tpu.dma_semaphore, #tpu.memory_space<semaphore_mem>>)
    %add3A_76 = arith.constant 0 : i32
    %add3A_77 = arith.addi %mul3A_2, %add3A_76 : i32
    %dma_wait3A_78 = arith.constant 0 : i32
    %dma_wait3A_79 = tpu.memref_slice %arg7[%add3A_77, %dma_wait3A_78] : memref<51200x1000xf32, #tpu.memory_space<hbm>> -> memref<8x1000xf32, #tpu.memory_space<hbm>>
    %dma_wait3A_80 = arith.constant 0 : i32
    %dma_wait3A_81 = tpu.memref_slice %arg7[%add3A_77, %dma_wait3A_80] : memref<51200x1000xf32, #tpu.memory_space<hbm>> -> memref<8x1000xf32, #tpu.memory_space<hbm>>
    tpu.wait_dma2 semaphore(%arg25 : memref<!tpu.dma_semaphore, #tpu.memory_space<semaphore_mem>>) src(%arg11 : memref<8x1000xf32, #tpu.memory_space<vmem>>) dst(%dma_wait3A_81 : memref<8x1000xf32, #tpu.memory_space<hbm>>)
    %dma_start3A_82 = arith.constant 40 : i32
    %dma_start3A_83 = tpu.memref_slice %arg9[%dma_start3A_82] : memref<1600xi32, #tpu.memory_space<vmem>> -> memref<8xi32, #tpu.memory_space<vmem>>
    %dma_start3A_84 = arith.constant 0 : i32
    %dma_start3A_85 = arith.constant 0 : i32
    %dma_start3A_86 = tpu.memref_slice %arg19[%dma_start3A_84, %dma_start3A_85] : memref<1000x1000xf32, #tpu.memory_space<vmem_shared>> -> memref<1000x1000xf32, #tpu.memory_space<vmem_shared>>
    tpu.enqueue_indirect_dma source(%dma_start3A_86 : memref<1000x1000xf32, #tpu.memory_space<vmem_shared>>) target(%arg11 : memref<8x1000xf32, #tpu.memory_space<vmem>>) offsets(%dma_start3A_83 : memref<8xi32, #tpu.memory_space<vmem>>) semaphore(%arg20 : memref<!tpu.dma_semaphore, #tpu.memory_space<semaphore_mem>>)
    %dma_wait3A_87 = arith.constant 32 : i32
    %dma_wait3A_88 = tpu.memref_slice %arg9[%dma_wait3A_87] : memref<1600xi32, #tpu.memory_space<vmem>> -> memref<8xi32, #tpu.memory_space<vmem>>
    %dma_wait3A_89 = arith.constant 0 : i32
    %dma_wait3A_90 = arith.constant 0 : i32
    %dma_wait3A_91 = tpu.memref_slice %arg19[%dma_wait3A_89, %dma_wait3A_90] : memref<1000x1000xf32, #tpu.memory_space<vmem_shared>> -> memref<1000x1000xf32, #tpu.memory_space<vmem_shared>>
    tpu.wait_indirect_dma semaphore(%arg24 : memref<!tpu.dma_semaphore, #tpu.memory_space<semaphore_mem>>) src(%dma_wait3A_91 : memref<1000x1000xf32, #tpu.memory_space<vmem_shared>>) dst(%arg15 : memref<8x1000xf32, #tpu.memory_space<vmem>>)
    %add3A_92 = arith.constant 32 : i32
    %add3A_93 = arith.addi %mul3A_2, %add3A_92 : i32
    %dma_start3A_94 = arith.constant 0 : i32
    %dma_start3A_95 = tpu.memref_slice %arg7[%add3A_93, %dma_start3A_94] : memref<51200x1000xf32, #tpu.memory_space<hbm>> -> memref<8x1000xf32, #tpu.memory_space<hbm>>
    %dma_start3A_96 = arith.constant 0 : i32
    %dma_start3A_97 = tpu.memref_slice %arg7[%add3A_93, %dma_start3A_96] : memref<51200x1000xf32, #tpu.memory_space<hbm>> -> memref<8x1000xf32, #tpu.memory_space<hbm>>
    tpu.enqueue_dma source(%arg15 : memref<8x1000xf32, #tpu.memory_space<vmem>>) target(%dma_start3A_97 : memref<8x1000xf32, #tpu.memory_space<hbm>>) target_semaphore(%arg29 : memref<!tpu.dma_semaphore, #tpu.memory_space<semaphore_mem>>)
    %add3A_98 = arith.constant 8 : i32
    %add3A_99 = arith.addi %mul3A_2, %add3A_98 : i32
    %dma_wait3A_100 = arith.constant 0 : i32
    %dma_wait3A_101 = tpu.memref_slice %arg7[%add3A_99, %dma_wait3A_100] : memref<51200x1000xf32, #tpu.memory_space<hbm>> -> memref<8x1000xf32, #tpu.memory_space<hbm>>
    %dma_wait3A_102 = arith.constant 0 : i32
    %dma_wait3A_103 = tpu.memref_slice %arg7[%add3A_99, %dma_wait3A_102] : memref<51200x1000xf32, #tpu.memory_space<hbm>> -> memref<8x1000xf32, #tpu.memory_space<hbm>>
    tpu.wait_dma2 semaphore(%arg26 : memref<!tpu.dma_semaphore, #tpu.memory_space<semaphore_mem>>) src(%arg12 : memref<8x1000xf32, #tpu.memory_space<vmem>>) dst(%dma_wait3A_103 : memref<8x1000xf32, #tpu.memory_space<hbm>>)
    %dma_start3A_104 = arith.constant 48 : i32
    %dma_start3A_105 = tpu.memref_slice %arg9[%dma_start3A_104] : memref<1600xi32, #tpu.memory_space<vmem>> -> memref<8xi32, #tpu.memory_space<vmem>>
    %dma_start3A_106 = arith.constant 0 : i32
    %dma_start3A_107 = arith.constant 0 : i32
    %dma_start3A_108 = tpu.memref_slice %arg19[%dma_start3A_106, %dma_start3A_107] : memref<1000x1000xf32, #tpu.memory_space<vmem_shared>> -> memref<1000x1000xf32, #tpu.memory_space<vmem_shared>>
    tpu.enqueue_indirect_dma source(%dma_start3A_108 : memref<1000x1000xf32, #tpu.memory_space<vmem_shared>>) target(%arg12 : memref<8x1000xf32, #tpu.memory_space<vmem>>) offsets(%dma_start3A_105 : memref<8xi32, #tpu.memory_space<vmem>>) semaphore(%arg21 : memref<!tpu.dma_semaphore, #tpu.memory_space<semaphore_mem>>)
    %scan3A = arith.constant 0 : i32
    %scan3A_109 = arith.constant 1 : i32
    %scan3A_110 = arith.constant 39 : i32
    %scan3A_111 = arith.addi %scan3A_109, %scan3A_110 : i32
    %scan3A_112 = arith.constant 1 : i32
    scf.for %scan3A_146 = %scan3A_109 to %scan3A_111 step %scan3A_112  : i32 {
      %mul3A_147 = arith.constant 5 : i32
      %mul3A_148 = arith.muli %scan3A_146, %mul3A_147 : i32
      %add3A_149 = arith.constant 0 : i32
      %add3A_150 = arith.addi %mul3A_148, %add3A_149 : i32
      %mul3A_151 = arith.constant 8 : i32
      %mul3A_152 = arith.muli %add3A_150, %mul3A_151 : i32
      %dma_wait3A_153 = tpu.memref_slice %arg9[%mul3A_152] : memref<1600xi32, #tpu.memory_space<vmem>> -> memref<8xi32, #tpu.memory_space<vmem>>
      %dma_wait3A_154 = arith.constant 0 : i32
      %dma_wait3A_155 = arith.constant 0 : i32
      %dma_wait3A_156 = tpu.memref_slice %arg19[%dma_wait3A_154, %dma_wait3A_155] : memref<1000x1000xf32, #tpu.memory_space<vmem_shared>> -> memref<1000x1000xf32, #tpu.memory_space<vmem_shared>>
      tpu.wait_indirect_dma semaphore(%arg20 : memref<!tpu.dma_semaphore, #tpu.memory_space<semaphore_mem>>) src(%dma_wait3A_156 : memref<1000x1000xf32, #tpu.memory_space<vmem_shared>>) dst(%arg11 : memref<8x1000xf32, #tpu.memory_space<vmem>>)
      %mul3A_157 = arith.constant 8 : i32
      %mul3A_158 = arith.muli %add3A_150, %mul3A_157 : i32
      %add3A_159 = arith.addi %mul3A_2, %mul3A_158 : i32
      %dma_start3A_160 = arith.constant 0 : i32
      %dma_start3A_161 = tpu.memref_slice %arg7[%add3A_159, %dma_start3A_160] : memref<51200x1000xf32, #tpu.memory_space<hbm>> -> memref<8x1000xf32, #tpu.memory_space<hbm>>
      %dma_start3A_162 = arith.constant 0 : i32
      %dma_start3A_163 = tpu.memref_slice %arg7[%add3A_159, %dma_start3A_162] : memref<51200x1000xf32, #tpu.memory_space<hbm>> -> memref<8x1000xf32, #tpu.memory_space<hbm>>
      tpu.enqueue_dma source(%arg11 : memref<8x1000xf32, #tpu.memory_space<vmem>>) target(%dma_start3A_163 : memref<8x1000xf32, #tpu.memory_space<hbm>>) target_semaphore(%arg25 : memref<!tpu.dma_semaphore, #tpu.memory_space<semaphore_mem>>)
      %add3A_164 = arith.constant 2 : i32
      %add3A_165 = arith.addi %add3A_150, %add3A_164 : i32
      %sub3A = arith.constant 5 : i32
      %sub3A_166 = arith.subi %add3A_165, %sub3A : i32
      %mul3A_167 = arith.constant 8 : i32
      %mul3A_168 = arith.muli %sub3A_166, %mul3A_167 : i32
      %add3A_169 = arith.addi %mul3A_2, %mul3A_168 : i32
      %dma_wait3A_170 = arith.constant 0 : i32
      %dma_wait3A_171 = tpu.memref_slice %arg7[%add3A_169, %dma_wait3A_170] : memref<51200x1000xf32, #tpu.memory_space<hbm>> -> memref<8x1000xf32, #tpu.memory_space<hbm>>
      %dma_wait3A_172 = arith.constant 0 : i32
      %dma_wait3A_173 = tpu.memref_slice %arg7[%add3A_169, %dma_wait3A_172] : memref<51200x1000xf32, #tpu.memory_space<hbm>> -> memref<8x1000xf32, #tpu.memory_space<hbm>>
      tpu.wait_dma2 semaphore(%arg27 : memref<!tpu.dma_semaphore, #tpu.memory_space<semaphore_mem>>) src(%arg13 : memref<8x1000xf32, #tpu.memory_space<vmem>>) dst(%dma_wait3A_173 : memref<8x1000xf32, #tpu.memory_space<hbm>>)
      %add3A_174 = arith.constant 2 : i32
      %add3A_175 = arith.addi %add3A_150, %add3A_174 : i32
      %lt3A_176 = arith.constant 200 : i32
      %lt3A_177 = arith.cmpi slt, %add3A_175, %lt3A_176 : i32
      %convert_element_type3A_178 = arith.extui %lt3A_177 : i1 to i32
      %cond3A_179 = arith.constant 0 : i32
      %cond3A_180 = arith.cmpi ne, %convert_element_type3A_178, %cond3A_179 : i32
      scf.if %cond3A_180 {
        %add3A_321 = arith.constant 2 : i32
        %add3A_322 = arith.addi %add3A_150, %add3A_321 : i32
        %mul3A_323 = arith.constant 8 : i32
        %mul3A_324 = arith.muli %add3A_322, %mul3A_323 : i32
        %dma_start3A_325 = tpu.memref_slice %arg9[%mul3A_324] : memref<1600xi32, #tpu.memory_space<vmem>> -> memref<8xi32, #tpu.memory_space<vmem>>
        %dma_start3A_326 = arith.constant 0 : i32
        %dma_start3A_327 = arith.constant 0 : i32
        %dma_start3A_328 = tpu.memref_slice %arg19[%dma_start3A_326, %dma_start3A_327] : memref<1000x1000xf32, #tpu.memory_space<vmem_shared>> -> memref<1000x1000xf32, #tpu.memory_space<vmem_shared>>
        tpu.enqueue_indirect_dma source(%dma_start3A_328 : memref<1000x1000xf32, #tpu.memory_space<vmem_shared>>) target(%arg13 : memref<8x1000xf32, #tpu.memory_space<vmem>>) offsets(%dma_start3A_325 : memref<8xi32, #tpu.memory_space<vmem>>) semaphore(%arg22 : memref<!tpu.dma_semaphore, #tpu.memory_space<semaphore_mem>>)
      } else {
      }
      %mul3A_181 = arith.constant 5 : i32
      %mul3A_182 = arith.muli %scan3A_146, %mul3A_181 : i32
      %add3A_183 = arith.constant 1 : i32
      %add3A_184 = arith.addi %mul3A_182, %add3A_183 : i32
      %mul3A_185 = arith.constant 8 : i32
      %mul3A_186 = arith.muli %add3A_184, %mul3A_185 : i32
      %dma_wait3A_187 = tpu.memref_slice %arg9[%mul3A_186] : memref<1600xi32, #tpu.memory_space<vmem>> -> memref<8xi32, #tpu.memory_space<vmem>>
      %dma_wait3A_188 = arith.constant 0 : i32
      %dma_wait3A_189 = arith.constant 0 : i32
      %dma_wait3A_190 = tpu.memref_slice %arg19[%dma_wait3A_188, %dma_wait3A_189] : memref<1000x1000xf32, #tpu.memory_space<vmem_shared>> -> memref<1000x1000xf32, #tpu.memory_space<vmem_shared>>
      tpu.wait_indirect_dma semaphore(%arg21 : memref<!tpu.dma_semaphore, #tpu.memory_space<semaphore_mem>>) src(%dma_wait3A_190 : memref<1000x1000xf32, #tpu.memory_space<vmem_shared>>) dst(%arg12 : memref<8x1000xf32, #tpu.memory_space<vmem>>)
      %mul3A_191 = arith.constant 8 : i32
      %mul3A_192 = arith.muli %add3A_184, %mul3A_191 : i32
      %add3A_193 = arith.addi %mul3A_2, %mul3A_192 : i32
      %dma_start3A_194 = arith.constant 0 : i32
      %dma_start3A_195 = tpu.memref_slice %arg7[%add3A_193, %dma_start3A_194] : memref<51200x1000xf32, #tpu.memory_space<hbm>> -> memref<8x1000xf32, #tpu.memory_space<hbm>>
      %dma_start3A_196 = arith.constant 0 : i32
      %dma_start3A_197 = tpu.memref_slice %arg7[%add3A_193, %dma_start3A_196] : memref<51200x1000xf32, #tpu.memory_space<hbm>> -> memref<8x1000xf32, #tpu.memory_space<hbm>>
      tpu.enqueue_dma source(%arg12 : memref<8x1000xf32, #tpu.memory_space<vmem>>) target(%dma_start3A_197 : memref<8x1000xf32, #tpu.memory_space<hbm>>) target_semaphore(%arg26 : memref<!tpu.dma_semaphore, #tpu.memory_space<semaphore_mem>>)
      %add3A_198 = arith.constant 2 : i32
      %add3A_199 = arith.addi %add3A_184, %add3A_198 : i32
      %sub3A_200 = arith.constant 5 : i32
      %sub3A_201 = arith.subi %add3A_199, %sub3A_200 : i32
      %mul3A_202 = arith.constant 8 : i32
      %mul3A_203 = arith.muli %sub3A_201, %mul3A_202 : i32
      %add3A_204 = arith.addi %mul3A_2, %mul3A_203 : i32
      %dma_wait3A_205 = arith.constant 0 : i32
      %dma_wait3A_206 = tpu.memref_slice %arg7[%add3A_204, %dma_wait3A_205] : memref<51200x1000xf32, #tpu.memory_space<hbm>> -> memref<8x1000xf32, #tpu.memory_space<hbm>>
      %dma_wait3A_207 = arith.constant 0 : i32
      %dma_wait3A_208 = tpu.memref_slice %arg7[%add3A_204, %dma_wait3A_207] : memref<51200x1000xf32, #tpu.memory_space<hbm>> -> memref<8x1000xf32, #tpu.memory_space<hbm>>
      tpu.wait_dma2 semaphore(%arg28 : memref<!tpu.dma_semaphore, #tpu.memory_space<semaphore_mem>>) src(%arg14 : memref<8x1000xf32, #tpu.memory_space<vmem>>) dst(%dma_wait3A_208 : memref<8x1000xf32, #tpu.memory_space<hbm>>)
      %add3A_209 = arith.constant 2 : i32
      %add3A_210 = arith.addi %add3A_184, %add3A_209 : i32
      %lt3A_211 = arith.constant 200 : i32
      %lt3A_212 = arith.cmpi slt, %add3A_210, %lt3A_211 : i32
      %convert_element_type3A_213 = arith.extui %lt3A_212 : i1 to i32
      %cond3A_214 = arith.constant 0 : i32
      %cond3A_215 = arith.cmpi ne, %convert_element_type3A_213, %cond3A_214 : i32
      scf.if %cond3A_215 {
        %add3A_321 = arith.constant 2 : i32
        %add3A_322 = arith.addi %add3A_184, %add3A_321 : i32
        %mul3A_323 = arith.constant 8 : i32
        %mul3A_324 = arith.muli %add3A_322, %mul3A_323 : i32
        %dma_start3A_325 = tpu.memref_slice %arg9[%mul3A_324] : memref<1600xi32, #tpu.memory_space<vmem>> -> memref<8xi32, #tpu.memory_space<vmem>>
        %dma_start3A_326 = arith.constant 0 : i32
        %dma_start3A_327 = arith.constant 0 : i32
        %dma_start3A_328 = tpu.memref_slice %arg19[%dma_start3A_326, %dma_start3A_327] : memref<1000x1000xf32, #tpu.memory_space<vmem_shared>> -> memref<1000x1000xf32, #tpu.memory_space<vmem_shared>>
        tpu.enqueue_indirect_dma source(%dma_start3A_328 : memref<1000x1000xf32, #tpu.memory_space<vmem_shared>>) target(%arg14 : memref<8x1000xf32, #tpu.memory_space<vmem>>) offsets(%dma_start3A_325 : memref<8xi32, #tpu.memory_space<vmem>>) semaphore(%arg23 : memref<!tpu.dma_semaphore, #tpu.memory_space<semaphore_mem>>)
      } else {
      }
      %mul3A_216 = arith.constant 5 : i32
      %mul3A_217 = arith.muli %scan3A_146, %mul3A_216 : i32
      %add3A_218 = arith.constant 2 : i32
      %add3A_219 = arith.addi %mul3A_217, %add3A_218 : i32
      %mul3A_220 = arith.constant 8 : i32
      %mul3A_221 = arith.muli %add3A_219, %mul3A_220 : i32
      %dma_wait3A_222 = tpu.memref_slice %arg9[%mul3A_221] : memref<1600xi32, #tpu.memory_space<vmem>> -> memref<8xi32, #tpu.memory_space<vmem>>
      %dma_wait3A_223 = arith.constant 0 : i32
      %dma_wait3A_224 = arith.constant 0 : i32
      %dma_wait3A_225 = tpu.memref_slice %arg19[%dma_wait3A_223, %dma_wait3A_224] : memref<1000x1000xf32, #tpu.memory_space<vmem_shared>> -> memref<1000x1000xf32, #tpu.memory_space<vmem_shared>>
      tpu.wait_indirect_dma semaphore(%arg22 : memref<!tpu.dma_semaphore, #tpu.memory_space<semaphore_mem>>) src(%dma_wait3A_225 : memref<1000x1000xf32, #tpu.memory_space<vmem_shared>>) dst(%arg13 : memref<8x1000xf32, #tpu.memory_space<vmem>>)
      %mul3A_226 = arith.constant 8 : i32
      %mul3A_227 = arith.muli %add3A_219, %mul3A_226 : i32
      %add3A_228 = arith.addi %mul3A_2, %mul3A_227 : i32
      %dma_start3A_229 = arith.constant 0 : i32
      %dma_start3A_230 = tpu.memref_slice %arg7[%add3A_228, %dma_start3A_229] : memref<51200x1000xf32, #tpu.memory_space<hbm>> -> memref<8x1000xf32, #tpu.memory_space<hbm>>
      %dma_start3A_231 = arith.constant 0 : i32
      %dma_start3A_232 = tpu.memref_slice %arg7[%add3A_228, %dma_start3A_231] : memref<51200x1000xf32, #tpu.memory_space<hbm>> -> memref<8x1000xf32, #tpu.memory_space<hbm>>
      tpu.enqueue_dma source(%arg13 : memref<8x1000xf32, #tpu.memory_space<vmem>>) target(%dma_start3A_232 : memref<8x1000xf32, #tpu.memory_space<hbm>>) target_semaphore(%arg27 : memref<!tpu.dma_semaphore, #tpu.memory_space<semaphore_mem>>)
      %add3A_233 = arith.constant 2 : i32
      %add3A_234 = arith.addi %add3A_219, %add3A_233 : i32
      %sub3A_235 = arith.constant 5 : i32
      %sub3A_236 = arith.subi %add3A_234, %sub3A_235 : i32
      %mul3A_237 = arith.constant 8 : i32
      %mul3A_238 = arith.muli %sub3A_236, %mul3A_237 : i32
      %add3A_239 = arith.addi %mul3A_2, %mul3A_238 : i32
      %dma_wait3A_240 = arith.constant 0 : i32
      %dma_wait3A_241 = tpu.memref_slice %arg7[%add3A_239, %dma_wait3A_240] : memref<51200x1000xf32, #tpu.memory_space<hbm>> -> memref<8x1000xf32, #tpu.memory_space<hbm>>
      %dma_wait3A_242 = arith.constant 0 : i32
      %dma_wait3A_243 = tpu.memref_slice %arg7[%add3A_239, %dma_wait3A_242] : memref<51200x1000xf32, #tpu.memory_space<hbm>> -> memref<8x1000xf32, #tpu.memory_space<hbm>>
      tpu.wait_dma2 semaphore(%arg29 : memref<!tpu.dma_semaphore, #tpu.memory_space<semaphore_mem>>) src(%arg15 : memref<8x1000xf32, #tpu.memory_space<vmem>>) dst(%dma_wait3A_243 : memref<8x1000xf32, #tpu.memory_space<hbm>>)
      %add3A_244 = arith.constant 2 : i32
      %add3A_245 = arith.addi %add3A_219, %add3A_244 : i32
      %lt3A_246 = arith.constant 200 : i32
      %lt3A_247 = arith.cmpi slt, %add3A_245, %lt3A_246 : i32
      %convert_element_type3A_248 = arith.extui %lt3A_247 : i1 to i32
      %cond3A_249 = arith.constant 0 : i32
      %cond3A_250 = arith.cmpi ne, %convert_element_type3A_248, %cond3A_249 : i32
      scf.if %cond3A_250 {
        %add3A_321 = arith.constant 2 : i32
        %add3A_322 = arith.addi %add3A_219, %add3A_321 : i32
        %mul3A_323 = arith.constant 8 : i32
        %mul3A_324 = arith.muli %add3A_322, %mul3A_323 : i32
        %dma_start3A_325 = tpu.memref_slice %arg9[%mul3A_324] : memref<1600xi32, #tpu.memory_space<vmem>> -> memref<8xi32, #tpu.memory_space<vmem>>
        %dma_start3A_326 = arith.constant 0 : i32
        %dma_start3A_327 = arith.constant 0 : i32
        %dma_start3A_328 = tpu.memref_slice %arg19[%dma_start3A_326, %dma_start3A_327] : memref<1000x1000xf32, #tpu.memory_space<vmem_shared>> -> memref<1000x1000xf32, #tpu.memory_space<vmem_shared>>
        tpu.enqueue_indirect_dma source(%dma_start3A_328 : memref<1000x1000xf32, #tpu.memory_space<vmem_shared>>) target(%arg15 : memref<8x1000xf32, #tpu.memory_space<vmem>>) offsets(%dma_start3A_325 : memref<8xi32, #tpu.memory_space<vmem>>) semaphore(%arg24 : memref<!tpu.dma_semaphore, #tpu.memory_space<semaphore_mem>>)
      } else {
      }
      %mul3A_251 = arith.constant 5 : i32
      %mul3A_252 = arith.muli %scan3A_146, %mul3A_251 : i32
      %add3A_253 = arith.constant 3 : i32
      %add3A_254 = arith.addi %mul3A_252, %add3A_253 : i32
      %mul3A_255 = arith.constant 8 : i32
      %mul3A_256 = arith.muli %add3A_254, %mul3A_255 : i32
      %dma_wait3A_257 = tpu.memref_slice %arg9[%mul3A_256] : memref<1600xi32, #tpu.memory_space<vmem>> -> memref<8xi32, #tpu.memory_space<vmem>>
      %dma_wait3A_258 = arith.constant 0 : i32
      %dma_wait3A_259 = arith.constant 0 : i32
      %dma_wait3A_260 = tpu.memref_slice %arg19[%dma_wait3A_258, %dma_wait3A_259] : memref<1000x1000xf32, #tpu.memory_space<vmem_shared>> -> memref<1000x1000xf32, #tpu.memory_space<vmem_shared>>
      tpu.wait_indirect_dma semaphore(%arg23 : memref<!tpu.dma_semaphore, #tpu.memory_space<semaphore_mem>>) src(%dma_wait3A_260 : memref<1000x1000xf32, #tpu.memory_space<vmem_shared>>) dst(%arg14 : memref<8x1000xf32, #tpu.memory_space<vmem>>)
      %mul3A_261 = arith.constant 8 : i32
      %mul3A_262 = arith.muli %add3A_254, %mul3A_261 : i32
      %add3A_263 = arith.addi %mul3A_2, %mul3A_262 : i32
      %dma_start3A_264 = arith.constant 0 : i32
      %dma_start3A_265 = tpu.memref_slice %arg7[%add3A_263, %dma_start3A_264] : memref<51200x1000xf32, #tpu.memory_space<hbm>> -> memref<8x1000xf32, #tpu.memory_space<hbm>>
      %dma_start3A_266 = arith.constant 0 : i32
      %dma_start3A_267 = tpu.memref_slice %arg7[%add3A_263, %dma_start3A_266] : memref<51200x1000xf32, #tpu.memory_space<hbm>> -> memref<8x1000xf32, #tpu.memory_space<hbm>>
      tpu.enqueue_dma source(%arg14 : memref<8x1000xf32, #tpu.memory_space<vmem>>) target(%dma_start3A_267 : memref<8x1000xf32, #tpu.memory_space<hbm>>) target_semaphore(%arg28 : memref<!tpu.dma_semaphore, #tpu.memory_space<semaphore_mem>>)
      %add3A_268 = arith.constant 2 : i32
      %add3A_269 = arith.addi %add3A_254, %add3A_268 : i32
      %sub3A_270 = arith.constant 5 : i32
      %sub3A_271 = arith.subi %add3A_269, %sub3A_270 : i32
      %mul3A_272 = arith.constant 8 : i32
      %mul3A_273 = arith.muli %sub3A_271, %mul3A_272 : i32
      %add3A_274 = arith.addi %mul3A_2, %mul3A_273 : i32
      %dma_wait3A_275 = arith.constant 0 : i32
      %dma_wait3A_276 = tpu.memref_slice %arg7[%add3A_274, %dma_wait3A_275] : memref<51200x1000xf32, #tpu.memory_space<hbm>> -> memref<8x1000xf32, #tpu.memory_space<hbm>>
      %dma_wait3A_277 = arith.constant 0 : i32
      %dma_wait3A_278 = tpu.memref_slice %arg7[%add3A_274, %dma_wait3A_277] : memref<51200x1000xf32, #tpu.memory_space<hbm>> -> memref<8x1000xf32, #tpu.memory_space<hbm>>
      tpu.wait_dma2 semaphore(%arg25 : memref<!tpu.dma_semaphore, #tpu.memory_space<semaphore_mem>>) src(%arg11 : memref<8x1000xf32, #tpu.memory_space<vmem>>) dst(%dma_wait3A_278 : memref<8x1000xf32, #tpu.memory_space<hbm>>)
      %add3A_279 = arith.constant 2 : i32
      %add3A_280 = arith.addi %add3A_254, %add3A_279 : i32
      %lt3A_281 = arith.constant 200 : i32
      %lt3A_282 = arith.cmpi slt, %add3A_280, %lt3A_281 : i32
      %convert_element_type3A_283 = arith.extui %lt3A_282 : i1 to i32
      %cond3A_284 = arith.constant 0 : i32
      %cond3A_285 = arith.cmpi ne, %convert_element_type3A_283, %cond3A_284 : i32
      scf.if %cond3A_285 {
        %add3A_321 = arith.constant 2 : i32
        %add3A_322 = arith.addi %add3A_254, %add3A_321 : i32
        %mul3A_323 = arith.constant 8 : i32
        %mul3A_324 = arith.muli %add3A_322, %mul3A_323 : i32
        %dma_start3A_325 = tpu.memref_slice %arg9[%mul3A_324] : memref<1600xi32, #tpu.memory_space<vmem>> -> memref<8xi32, #tpu.memory_space<vmem>>
        %dma_start3A_326 = arith.constant 0 : i32
        %dma_start3A_327 = arith.constant 0 : i32
        %dma_start3A_328 = tpu.memref_slice %arg19[%dma_start3A_326, %dma_start3A_327] : memref<1000x1000xf32, #tpu.memory_space<vmem_shared>> -> memref<1000x1000xf32, #tpu.memory_space<vmem_shared>>
        tpu.enqueue_indirect_dma source(%dma_start3A_328 : memref<1000x1000xf32, #tpu.memory_space<vmem_shared>>) target(%arg11 : memref<8x1000xf32, #tpu.memory_space<vmem>>) offsets(%dma_start3A_325 : memref<8xi32, #tpu.memory_space<vmem>>) semaphore(%arg20 : memref<!tpu.dma_semaphore, #tpu.memory_space<semaphore_mem>>)
      } else {
      }
      %mul3A_286 = arith.constant 5 : i32
      %mul3A_287 = arith.muli %scan3A_146, %mul3A_286 : i32
      %add3A_288 = arith.constant 4 : i32
      %add3A_289 = arith.addi %mul3A_287, %add3A_288 : i32
      %mul3A_290 = arith.constant 8 : i32
      %mul3A_291 = arith.muli %add3A_289, %mul3A_290 : i32
      %dma_wait3A_292 = tpu.memref_slice %arg9[%mul3A_291] : memref<1600xi32, #tpu.memory_space<vmem>> -> memref<8xi32, #tpu.memory_space<vmem>>
      %dma_wait3A_293 = arith.constant 0 : i32
      %dma_wait3A_294 = arith.constant 0 : i32
      %dma_wait3A_295 = tpu.memref_slice %arg19[%dma_wait3A_293, %dma_wait3A_294] : memref<1000x1000xf32, #tpu.memory_space<vmem_shared>> -> memref<1000x1000xf32, #tpu.memory_space<vmem_shared>>
      tpu.wait_indirect_dma semaphore(%arg24 : memref<!tpu.dma_semaphore, #tpu.memory_space<semaphore_mem>>) src(%dma_wait3A_295 : memref<1000x1000xf32, #tpu.memory_space<vmem_shared>>) dst(%arg15 : memref<8x1000xf32, #tpu.memory_space<vmem>>)
      %mul3A_296 = arith.constant 8 : i32
      %mul3A_297 = arith.muli %add3A_289, %mul3A_296 : i32
      %add3A_298 = arith.addi %mul3A_2, %mul3A_297 : i32
      %dma_start3A_299 = arith.constant 0 : i32
      %dma_start3A_300 = tpu.memref_slice %arg7[%add3A_298, %dma_start3A_299] : memref<51200x1000xf32, #tpu.memory_space<hbm>> -> memref<8x1000xf32, #tpu.memory_space<hbm>>
      %dma_start3A_301 = arith.constant 0 : i32
      %dma_start3A_302 = tpu.memref_slice %arg7[%add3A_298, %dma_start3A_301] : memref<51200x1000xf32, #tpu.memory_space<hbm>> -> memref<8x1000xf32, #tpu.memory_space<hbm>>
      tpu.enqueue_dma source(%arg15 : memref<8x1000xf32, #tpu.memory_space<vmem>>) target(%dma_start3A_302 : memref<8x1000xf32, #tpu.memory_space<hbm>>) target_semaphore(%arg29 : memref<!tpu.dma_semaphore, #tpu.memory_space<semaphore_mem>>)
      %add3A_303 = arith.constant 2 : i32
      %add3A_304 = arith.addi %add3A_289, %add3A_303 : i32
      %sub3A_305 = arith.constant 5 : i32
      %sub3A_306 = arith.subi %add3A_304, %sub3A_305 : i32
      %mul3A_307 = arith.constant 8 : i32
      %mul3A_308 = arith.muli %sub3A_306, %mul3A_307 : i32
      %add3A_309 = arith.addi %mul3A_2, %mul3A_308 : i32
      %dma_wait3A_310 = arith.constant 0 : i32
      %dma_wait3A_311 = tpu.memref_slice %arg7[%add3A_309, %dma_wait3A_310] : memref<51200x1000xf32, #tpu.memory_space<hbm>> -> memref<8x1000xf32, #tpu.memory_space<hbm>>
      %dma_wait3A_312 = arith.constant 0 : i32
      %dma_wait3A_313 = tpu.memref_slice %arg7[%add3A_309, %dma_wait3A_312] : memref<51200x1000xf32, #tpu.memory_space<hbm>> -> memref<8x1000xf32, #tpu.memory_space<hbm>>
      tpu.wait_dma2 semaphore(%arg26 : memref<!tpu.dma_semaphore, #tpu.memory_space<semaphore_mem>>) src(%arg12 : memref<8x1000xf32, #tpu.memory_space<vmem>>) dst(%dma_wait3A_313 : memref<8x1000xf32, #tpu.memory_space<hbm>>)
      %add3A_314 = arith.constant 2 : i32
      %add3A_315 = arith.addi %add3A_289, %add3A_314 : i32
      %lt3A_316 = arith.constant 200 : i32
      %lt3A_317 = arith.cmpi slt, %add3A_315, %lt3A_316 : i32
      %convert_element_type3A_318 = arith.extui %lt3A_317 : i1 to i32
      %cond3A_319 = arith.constant 0 : i32
      %cond3A_320 = arith.cmpi ne, %convert_element_type3A_318, %cond3A_319 : i32
      scf.if %cond3A_320 {
        %add3A_321 = arith.constant 2 : i32
        %add3A_322 = arith.addi %add3A_289, %add3A_321 : i32
        %mul3A_323 = arith.constant 8 : i32
        %mul3A_324 = arith.muli %add3A_322, %mul3A_323 : i32
        %dma_start3A_325 = tpu.memref_slice %arg9[%mul3A_324] : memref<1600xi32, #tpu.memory_space<vmem>> -> memref<8xi32, #tpu.memory_space<vmem>>
        %dma_start3A_326 = arith.constant 0 : i32
        %dma_start3A_327 = arith.constant 0 : i32
        %dma_start3A_328 = tpu.memref_slice %arg19[%dma_start3A_326, %dma_start3A_327] : memref<1000x1000xf32, #tpu.memory_space<vmem_shared>> -> memref<1000x1000xf32, #tpu.memory_space<vmem_shared>>
        tpu.enqueue_indirect_dma source(%dma_start3A_328 : memref<1000x1000xf32, #tpu.memory_space<vmem_shared>>) target(%arg12 : memref<8x1000xf32, #tpu.memory_space<vmem>>) offsets(%dma_start3A_325 : memref<8xi32, #tpu.memory_space<vmem>>) semaphore(%arg21 : memref<!tpu.dma_semaphore, #tpu.memory_space<semaphore_mem>>)
      } else {
      }
    }
    %scan3A_113 = arith.constant 39 : i32
    %add3A_114 = arith.constant 1576 : i32
    %add3A_115 = arith.addi %mul3A_2, %add3A_114 : i32
    %dma_wait3A_116 = arith.constant 0 : i32
    %dma_wait3A_117 = tpu.memref_slice %arg7[%add3A_115, %dma_wait3A_116] : memref<51200x1000xf32, #tpu.memory_space<hbm>> -> memref<8x1000xf32, #tpu.memory_space<hbm>>
    %dma_wait3A_118 = arith.constant 0 : i32
    %dma_wait3A_119 = tpu.memref_slice %arg7[%add3A_115, %dma_wait3A_118] : memref<51200x1000xf32, #tpu.memory_space<hbm>> -> memref<8x1000xf32, #tpu.memory_space<hbm>>
    tpu.wait_dma2 semaphore(%arg27 : memref<!tpu.dma_semaphore, #tpu.memory_space<semaphore_mem>>) src(%arg13 : memref<8x1000xf32, #tpu.memory_space<vmem>>) dst(%dma_wait3A_119 : memref<8x1000xf32, #tpu.memory_space<hbm>>)
    %add3A_120 = arith.constant 1584 : i32
    %add3A_121 = arith.addi %mul3A_2, %add3A_120 : i32
    %dma_wait3A_122 = arith.constant 0 : i32
    %dma_wait3A_123 = tpu.memref_slice %arg7[%add3A_121, %dma_wait3A_122] : memref<51200x1000xf32, #tpu.memory_space<hbm>> -> memref<8x1000xf32, #tpu.memory_space<hbm>>
    %dma_wait3A_124 = arith.constant 0 : i32
    %dma_wait3A_125 = tpu.memref_slice %arg7[%add3A_121, %dma_wait3A_124] : memref<51200x1000xf32, #tpu.memory_space<hbm>> -> memref<8x1000xf32, #tpu.memory_space<hbm>>
    tpu.wait_dma2 semaphore(%arg28 : memref<!tpu.dma_semaphore, #tpu.memory_space<semaphore_mem>>) src(%arg14 : memref<8x1000xf32, #tpu.memory_space<vmem>>) dst(%dma_wait3A_125 : memref<8x1000xf32, #tpu.memory_space<hbm>>)
    %add3A_126 = arith.constant 1592 : i32
    %add3A_127 = arith.addi %mul3A_2, %add3A_126 : i32
    %dma_wait3A_128 = arith.constant 0 : i32
    %dma_wait3A_129 = tpu.memref_slice %arg7[%add3A_127, %dma_wait3A_128] : memref<51200x1000xf32, #tpu.memory_space<hbm>> -> memref<8x1000xf32, #tpu.memory_space<hbm>>
    %dma_wait3A_130 = arith.constant 0 : i32
    %dma_wait3A_131 = tpu.memref_slice %arg7[%add3A_127, %dma_wait3A_130] : memref<51200x1000xf32, #tpu.memory_space<hbm>> -> memref<8x1000xf32, #tpu.memory_space<hbm>>
    tpu.wait_dma2 semaphore(%arg29 : memref<!tpu.dma_semaphore, #tpu.memory_space<semaphore_mem>>) src(%arg15 : memref<8x1000xf32, #tpu.memory_space<vmem>>) dst(%dma_wait3A_131 : memref<8x1000xf32, #tpu.memory_space<hbm>>)
    %dma_wait3A_132 = arith.constant 0 : i32
    %dma_wait3A_133 = tpu.memref_slice %arg6[%dma_wait3A_132] : memref<1000xf32, #tpu.memory_space<hbm>> -> memref<1000xf32, #tpu.memory_space<hbm>>
    tpu.wait_indirect_dma semaphore(%arg31 : memref<!tpu.dma_semaphore, #tpu.memory_space<semaphore_mem>>) src(%dma_wait3A_133 : memref<1000xf32, #tpu.memory_space<hbm>>) dst(%arg16 : memref<1600xf32, #tpu.memory_space<vmem>>)
    %dma_wait3A_134 = arith.constant 0 : i32
    %dma_wait3A_135 = tpu.memref_slice %arg3[%dma_wait3A_134] : memref<1000008xf32, #tpu.memory_space<hbm>> -> memref<1000008xf32, #tpu.memory_space<hbm>>
    tpu.wait_indirect_dma semaphore(%arg30 : memref<!tpu.dma_semaphore, #tpu.memory_space<semaphore_mem>>) src(%dma_wait3A_135 : memref<1000008xf32, #tpu.memory_space<hbm>>) dst(%arg17 : memref<1600xf32, #tpu.memory_space<vmem>>)
    %broadcast_in_dim3A = arith.constant 0.000000e+00 : f32
    %broadcast_in_dim3A_136 = vector.broadcast %broadcast_in_dim3A : f32 to vector<16xf32>
    %scan3A_137 = arith.constant 0 : i32
    %scan3A_138 = arith.constant 100 : i32
    %scan3A_139 = arith.addi %scan3A_137, %scan3A_138 : i32
    %scan3A_140 = arith.constant 1 : i32
    %scan3A_141 = scf.for %scan3A_146 = %scan3A_137 to %scan3A_139 step %scan3A_140 iter_args(%scan3A_147 = %broadcast_in_dim3A_136) -> (vector<16xf32>)  : i32 {
      %mul3A_148 = arith.constant 16 : i32
      %mul3A_149 = arith.muli %scan3A_146, %mul3A_148 : i32
      %get3A = arith.index_cast %mul3A_149 : i32 to index
      %get3A_150 = tpu.vector_load %arg16[%get3A] {strides = array<i32>} : memref<1600xf32, #tpu.memory_space<vmem>>, vector<16xf32>,
      %get3A_151 = vector.shape_cast %get3A_150 : vector<16xf32> to vector<16xf32>
      %mul3A_152 = arith.constant 16 : i32
      %mul3A_153 = arith.muli %scan3A_146, %mul3A_152 : i32
      %get3A_154 = arith.index_cast %mul3A_153 : i32 to index
      %get3A_155 = tpu.vector_load %arg17[%get3A_154] {strides = array<i32>} : memref<1600xf32, #tpu.memory_space<vmem>>, vector<16xf32>,
      %get3A_156 = vector.shape_cast %get3A_155 : vector<16xf32> to vector<16xf32>
      %sub3A = arith.subf %get3A_151, %get3A_156 : vector<16xf32>
      %add3A_157 = arith.addf %scan3A_147, %sub3A : vector<16xf32>
      scf.yield %add3A_157 : vector<16xf32>
    }
    %scan3A_142 = arith.constant 100 : i32
    %swap3A = arith.constant 0 : index
    %swap3A_143 = tpu.vector_load %arg18[%swap3A] {strides = array<i32>} : memref<16xf32, #tpu.memory_space<vmem>>, vector<16xf32>,
    %swap3A_144 = vector.shape_cast %swap3A_143 : vector<16xf32> to vector<16xf32>
    %swap3A_145 = vector.shape_cast %scan3A_141 : vector<16xf32> to vector<16xf32>
    tpu.vector_store %arg18[%swap3A], %swap3A_145 {strides = array<i32>} : memref<16xf32, #tpu.memory_space<vmem>>, vector<16xf32>,
    "tpu.region"() ({
      %run_scoped3A = tpu.sem_alloc : memref<!tpu.dma_semaphore, #tpu.memory_space<semaphore_mem>>
      %dma_start3A_146 = arith.constant 0 : i32
      %dma_start3A_147 = tpu.memref_slice %arg8[%add3A, %dma_start3A_146] : memref<32x16xf32, #tpu.memory_space<hbm>> -> memref<1x16xf32, #tpu.memory_space<hbm>>
      %dma_start3A_148 = tpu.memref_squeeze %dma_start3A_147 : memref<1x16xf32, #tpu.memory_space<hbm>> -> memref<16xf32, #tpu.memory_space<hbm>>
      %dma_start3A_149 = arith.constant 0 : i32
      %dma_start3A_150 = tpu.memref_slice %arg8[%add3A, %dma_start3A_149] : memref<32x16xf32, #tpu.memory_space<hbm>> -> memref<1x16xf32, #tpu.memory_space<hbm>>
      %dma_start3A_151 = tpu.memref_squeeze %dma_start3A_150 : memref<1x16xf32, #tpu.memory_space<hbm>> -> memref<16xf32, #tpu.memory_space<hbm>>
      tpu.enqueue_dma source(%arg18 : memref<16xf32, #tpu.memory_space<vmem>>) target(%dma_start3A_151 : memref<16xf32, #tpu.memory_space<hbm>>) target_semaphore(%run_scoped3A : memref<!tpu.dma_semaphore, #tpu.memory_space<semaphore_mem>>)
      %dma_wait3A_152 = arith.constant 0 : i32
      %dma_wait3A_153 = tpu.memref_slice %arg8[%add3A, %dma_wait3A_152] : memref<32x16xf32, #tpu.memory_space<hbm>> -> memref<1x16xf32, #tpu.memory_space<hbm>>
      %dma_wait3A_154 = tpu.memref_squeeze %dma_wait3A_153 : memref<1x16xf32, #tpu.memory_space<hbm>> -> memref<16xf32, #tpu.memory_space<hbm>>
      %dma_wait3A_155 = arith.constant 0 : i32
      %dma_wait3A_156 = tpu.memref_slice %arg8[%add3A, %dma_wait3A_155] : memref<32x16xf32, #tpu.memory_space<hbm>> -> memref<1x16xf32, #tpu.memory_space<hbm>>
      %dma_wait3A_157 = tpu.memref_squeeze %dma_wait3A_156 : memref<1x16xf32, #tpu.memory_space<hbm>> -> memref<16xf32, #tpu.memory_space<hbm>>
      tpu.wait_dma2 semaphore(%run_scoped3A : memref<!tpu.dma_semaphore, #tpu.memory_space<semaphore_mem>>) src(%arg18 : memref<16xf32, #tpu.memory_space<vmem>>) dst(%dma_wait3A_157 : memref<16xf32, #tpu.memory_space<hbm>>)
      tpu.yield
    }) : () -> ()
    return
  }
}

module attributes {stable_mosaic.version = 14 : i64} {
  func.func @_lse_body(%arg0: memref<1000x1000xf32, #tpu.memory_space<vmem>>, %arg1: memref<1000xf32, #tpu.memory_space<vmem>>) attributes {dimension_semantics = [], scalar_prefetch = 0 : i64, scratch_operands = 0 : i64, tpu.core_type = #tpu.core_type<tc>} {
    %get3A = arith.constant 0 : index
    %get3A_0 = arith.constant 0 : index
    %get3A_1 = vector.load %arg0[%get3A, %get3A_0] : memref<1000x1000xf32, #tpu.memory_space<vmem>>, vector<1000x1000xf32>
    %reduce_max3A = arith.constant dense<0xFF800000> : vector<1000xf32>
    %reduce_max3A_2 = vector.multi_reduction <maximumf>, %get3A_1, %reduce_max3A [1] : vector<1000x1000xf32> to vector<1000xf32>
    %broadcast_in_dim3A = vector.shape_cast %reduce_max3A_2 : vector<1000xf32> to vector<1000x1xf32>
    %sub3A = vector.broadcast %broadcast_in_dim3A : vector<1000x1xf32> to vector<1000x1000xf32>
    %sub3A_3 = arith.subf %get3A_1, %sub3A : vector<1000x1000xf32>
    %exp3A = math.exp %sub3A_3 : vector<1000x1000xf32>
    %reduce_sum3A = arith.constant dense<0.000000e+00> : vector<1000xf32>
    %reduce_sum3A_4 = vector.multi_reduction <add>, %exp3A, %reduce_sum3A [1] : vector<1000x1000xf32> to vector<1000xf32>
    %log3A = math.log %reduce_sum3A_4 : vector<1000xf32>
    %add3A = arith.addf %reduce_max3A_2, %log3A : vector<1000xf32>
    %swap3A = arith.constant 0 : index
    %swap3A_5 = vector.load %arg1[%swap3A] : memref<1000xf32, #tpu.memory_space<vmem>>, vector<1000xf32>
    tpu.vector_store %arg1[%swap3A], %add3A {strides = array<i32>} : memref<1000xf32, #tpu.memory_space<vmem>>, vector<1000xf32>,
    return
  }
}

</mosaic_0001>

<sc_bundles>
// kernel: kernel.4.cloned.1.call-start
scs
__scs_entry_jumppad:
0x0: {  	(pc) =	sbr.rel $0x88, $3  }
0x1: {  	(tag) =	ssettag $0x0;
	lr =	simm.s32 $0x1  }
0x2: {  	[smem:$0x3F9E] =	sst lr;
	_ =	strace $0xD0000000  }
0x3: {  	_ = 	snop  }
0x4: {  	_ = 	snop  }
0x5: {  	_ = 	snop  }
0x6: {  	_ = 	snop  }
0x7: {  	_ = 	snop  }
__scs_overlays_trampoline_lowered:
0x8: {  	[smem:$0x3FAD] =	sst s0  }
0x9: {  	[smem:$0x3FAE] =	sst s1  }
0xa: {  	[smem:$0x3FAF] =	sst s2  }
0xb: {  	[smem:$0x3FB0] =	sst s3  }
0xc: {  	[smem:$0x3FB1] =	sst s4  }
0xd: {  	[smem:$0x3FB2] =	sst s5  }
0xe: {  	[smem:$0x3FB3] =	sst s6  }
0xf: {  	[smem:$0x3FB4] =	sst s7  }
0x10: {  	[smem:$0x3FB5] =	sst s8  }
0x11: {  	[smem:$0x3FB6] =	sst s9;
	s0 =	simm.s32 @!p0 $0x0  }
0x12: {  	s1 =	sld [smem:$0x3F9C];
	s0 =	simm.s32 @p0 $0x1  }
0x13: {  	[smem:$0x3FB7] =	sst s0;
	s0 =	simm.s32 @!p1 $0x0  }
0x14: {  	s2 =	sld [smem:$0x3F9B];
	s0 =	simm.s32 @p1 $0x1  }
0x15: {  	[smem:$0x3FB8] =	sst s0;
	s0 =	simm.s32 @!p2 $0x0  }
0x16: {  	s3 =	sld [smem:$0x3FDB];
	s0 =	simm.s32 @p2 $0x1  }
0x17: {  	s4 =	simm.s32 $0x1BF5;
	[smem:$0x3FBA] =	sst s0  }
0x18: {  	s0 =	sld [smem:$0x3F9D];
	_ =	swait.ge [sflag:s4], $0x0  }
0x19: {  	s7 =	sld [smem:$0x3F9E]  }
0x1a: {  	s8 =	sadd.s32 $0xFFFFE003, lr  }
0x1b: {  	s9 =	sadd.s32 $0xFFFFFEF7, lr;
	s5 =	simm.s32 $0xFFFFFFFF;
	p2 =	slt.u32 s8, $0xFFFFF086  }
0x1c: {  	p1 =	slt.u32 s9, $0xF7A;
	s5 =	simm.s32 @!p2 $0x0  }
0x1d: {  	s5 =	simm.s32 @p1 $0x1;
	p0 =	seq.s32 s7, s2  }
0x1e: {  	s7 =	smul.u32 @!p0 $0xF7A, s2;
	p2 =	seq.s32 @!p0 s5, $0x0  }
0x1f: {  	s9 =	smul.u32 $0xF7A, s1;
	s8 =	simm.s32 @!p0 $0x1BF5;
	p2 =	por !p2, p0  }
0x20: {  	[sflag:s8] =	ssyncset.s32 @!p0 $0xFFFFF086;
	s6 =	sadd.s32 @!p0 s3, s7;
	s7 =	simm.s32 @!p0 $0x108  }
0x21: {  	s3 =	sadd.s32 s3, s9;
	s6 =	sadd.s32 @!p0 $0x88, s6;
	s7 =	simm.s32 @p2 $0x1082  }
0x22: {  	[simem:s7], [sflag:s8] =	dma.local @!p0 [hbm:s6], $0xF7A  }
0x23: {  	s9 =	sor.u32 $0xD0000000, s2;
	s6 =	simm.s32 $0x108;
	_ =	swait.ge @!p0 [sflag:s8], $0x0  }
0x24: {  	s3 =	sadd.s32 $0x88, s3;
	s6 =	simm.s32 @!p1 $0x1082;
	[sflag:s4] =	ssyncset.s32 $0xFFFFF086  }
0x25: {  	[simem:s6], [sflag:s4] =	dma.local [hbm:s3], $0xF7A  }
0x26: {  	[smem:$0x3F9E] =	sst s1;
	(tag) =	ssettag s2;
	_ =	strace s9  }
0x27: {  	s1 =	sld [smem:$0x3FAE]  }
0x28: {  	s2 =	sld [smem:$0x3FAF]  }
0x29: {  	s4 =	sld [smem:$0x3FB1]  }
0x2a: {  	p0 =	seq.s32 s5, $0x0;
	s5 =	sld [smem:$0x3FB2]  }
0x2b: {  	s6 =	sld [smem:$0x3FB3]  }
0x2c: {  	s7 =	sld [smem:$0x3FB4]  }
0x2d: {  	s3 =	simm.s32 $0x108;
	s8 =	sld [smem:$0x3FB5]  }
0x2e: {  	s3 =	simm.s32 @!p0 $0x1082;
	s9 =	sld [smem:$0x3FB6]  }
0x2f: {  	lr =	sadd.s32 s0, s3;
	s0 =	sld [smem:$0x3FAD]  }
0x30: {  	s3 =	sld [smem:$0x3FB0]  }
0x31: {  	[smem:$0x3FB9] =	sst s10  }
0x32: {  	s10 =	sld [smem:$0x3FB7];
	_ =	sdelay $0x3  }
0x33: {  	p0 =	seq.s32 s10, $0x1;
	s10 =	sld [smem:$0x3FB9];
	_ =	sdelay $0x3  }
0x34: {  	[smem:$0x3FB9] =	sst s10  }
0x35: {  	s10 =	sld [smem:$0x3FB8];
	_ =	sdelay $0x3  }
0x36: {  	p1 =	seq.s32 s10, $0x1;
	s10 =	sld [smem:$0x3FB9];
	_ =	sdelay $0x3  }
0x37: {  	[smem:$0x3FB9] =	sst s10  }
0x38: {  	s10 =	sld [smem:$0x3FBA]  }
0x39: {  	_ = 	snop;
	(pc) =	sbr.ind lr, $3  }
0x3a: {  	_ = 	snop  }
0x3b: {  	_ = 	snop  }
0x3c: {  	p2 =	seq.s32 s10, $0x1;
	s10 =	sld [smem:$0x3FB9]  }
0x3d: {  	_ =	shalt  }
0x3e: {  	_ =	shalt  }
0x3f: {  	_ =	shalt  }
0x40: {  	_ =	shalt  }
0x41: {  	_ =	shalt  }
0x42: {  	_ =	shalt  }
0x43: {  	_ =	shalt  }
0x44: {  	_ =	shalt  }
0x45: {  	_ =	shalt  }
0x46: {  	_ =	shalt  }
0x47: {  	_ =	shalt  }
0x48: {  	_ =	shalt  }
0x49: {  	_ =	shalt  }
0x4a: {  	_ =	shalt  }
0x4b: {  	_ =	shalt  }
0x4c: {  	_ =	shalt  }
0x4d: {  	_ =	shalt  }
0x4e: {  	_ =	shalt  }
0x4f: {  	_ =	shalt  }
0x50: {  	_ =	shalt  }
0x51: {  	_ =	shalt  }
0x52: {  	_ =	shalt  }
0x53: {  	_ =	shalt  }
0x54: {  	_ =	shalt  }
0x55: {  	_ =	shalt  }
0x56: {  	_ =	shalt  }
0x57: {  	_ =	shalt  }
0x58: {  	_ =	shalt  }
0x59: {  	_ =	shalt  }
0x5a: {  	_ =	shalt  }
0x5b: {  	_ =	shalt  }
0x5c: {  	_ =	shalt  }
0x5d: {  	_ =	shalt  }
0x5e: {  	_ =	shalt  }
0x5f: {  	_ =	shalt  }
0x60: {  	_ =	shalt  }
0x61: {  	_ =	shalt  }
0x62: {  	_ =	shalt  }
0x63: {  	_ =	shalt  }
0x64: {  	_ =	shalt  }
0x65: {  	_ =	shalt  }
0x66: {  	_ =	shalt  }
0x67: {  	_ =	shalt  }
0x68: {  	_ =	shalt  }
0x69: {  	_ =	shalt  }
0x6a: {  	_ =	shalt  }
0x6b: {  	_ =	shalt  }
0x6c: {  	_ =	shalt  }
0x6d: {  	_ =	shalt  }
0x6e: {  	_ =	shalt  }
0x6f: {  	_ =	shalt  }
0x70: {  	_ =	shalt  }
0x71: {  	_ =	shalt  }
0x72: {  	_ =	shalt  }
0x73: {  	_ =	shalt  }
0x74: {  	_ =	shalt  }
0x75: {  	_ =	shalt  }
0x76: {  	_ =	shalt  }
0x77: {  	_ =	shalt  }
0x78: {  	_ =	shalt  }
0x79: {  	_ =	shalt  }
0x7a: {  	_ =	shalt  }
0x7b: {  	_ =	shalt  }
0x7c: {  	_ =	shalt  }
0x7d: {  	_ =	shalt  }
0x7e: {  	_ =	shalt  }
0x7f: {  	_ =	shalt  }
0x80: {  	_ =	shalt  }
0x81: {  	_ =	shalt  }
0x82: {  	_ =	shalt  }
0x83: {  	_ =	shalt  }
0x84: {  	_ =	shalt  }
0x85: {  	_ =	shalt  }
0x86: {  	_ =	shalt  }
0x87: {  	_ =	shalt  }
.Lfunc_end0:
.L_simem_size_0:
called_computation.1_lowered:
.L_overlay_start_0:
0x88: {  	s2 =	sld [smem:$0x3FD9]  }
0x89: {  	s3 =	sld [smem:$0x3FFE];
	_ =	sdelay $0x1  }
0x8a: {  	s1 =	srdreg.scid  }
0x8b: {  	s0 =	sand.u32 $0x1, s1  }
0x8c: {  	s14 =	sshll.u32 s0, $0xA;
	s2 =	sadd.s32 s3, s2  }
0x8d: {  	s2 =	sadd.s32 s2, s14  }
0x8e: {  	[smem:$0x3FC5] =	sst s2  }
0x8f: {  	_ = 	snop  }
0x90: {  	s2 =	sld [smem:$0x3FD0];
	_ =	sdelay $0x2  }
0x91: {  	s15 =	simm.s32 $0xA;
	s4 =	simm.s32 $0x10  }
0x92: {  	[smem:s4], [sflag:s15] =	dma.local [hbm:s2], $0x1  }
0x93: {  	_ =	swait.eq [sflag:s15], $0x1  }
0x94: {  	[sflag:s15] =	ssyncset.done $0x0  }
0x95: {  	[sflag:s15] =	ssyncadd.s32 $0xFFFFFFFF  }
0x96: {  	s16 =	sld [smem:$0x10];
	(tm) =	ssettm $0x1  }
0x97: {  	s17 =	sld [smem:$0x3FFB];
	_ =	sdelay $0x3  }
0x98: {  	_ =	strace s17  }
0x99: {  	s3 =	sld [smem:$0x3FFC];
	_ =	sdelay $0x3  }
0x9a: {  	_ =	strace s3  }
0x9b: {  	s3 =	sld [smem:$0x3FFD];
	_ =	sdelay $0x3  }
0x9c: {  	_ =	strace s3  }
0x9d: {  	_ =	strace $0x8FFFFFFF  }
0x9e: {  	s18 =	sld [smem:$0x3FDB];
	_ =	sdelay $0x1  }
0x9f: {  	s19 =	simm.s32 $_scs_section_size  }
0xa0: {  	s5 =	simm.s32 $_size__tile_overlayer_lowered;
	s6 =	simm.s32 $_tile_overlayer_lowered  }
0xa1: {  	s22 =	simm.s32 $0x1BFF;
	s21 =	sshll.u32 s6, $0x1;
	s3 =	sadd.s32 s19, s18  }
0xa2: {  	s7 =	simm.s32 $0x0;
	s20 =	sshll.u32 s5, $0x1;
	s5 =	sadd.s32 s21, s3  }
0xa3: {  	[timem:s7], [sflag:s22] =	dma.local [hbm:s5], s20  }
0xa4: {  	_ =	swait.ge [sflag:s22], s20  }
0xa5: {  	s4 =	ssub.s32 $0x0, s20;
	[sflag:s22] =	ssyncset.done $0x0  }
0xa6: {  	[sflag:s22] =	ssyncadd.s32 s4;
	_ =	sdelay $0x1  }
0xa7: {  	s23 =	simm.s32 $0x1B8B  }
0xa8: {  	_ =	swait.ge [sflag:s23], $0x1  }
0xa9: {  	[sflag:s23] =	ssyncset.done $0x0  }
0xaa: {  	s25 =	simm.s32 $0x1B8E;
	s24 =	sld [smem:$0x3FFE];
	[sflag:s23] =	ssyncadd.s32 $0xFFFFFFFF  }
0xab: {  	s26 =	simm.s32 $execute0_lowered;
	[smem:$0x3FD2] =	sst s25  }
0xac: {  	s5 =	sshll.u32 s26, $0x1;
	_ =	strace $0x80000046;
	[dreg:$0x1] =	wrdreg $0xFFFFFFFF  }
0xad: {  	s28 =	simm.s32 $_size_execute0_lowered;
	s3 =	sadd.s32 s3, s5;
	[dreg:$0x0] =	wrdreg $0x0  }
0xae: {  	s5 =	sshll.u32 s28, $0x1;
	[dreg:$0x2] =	wrdreg s3  }
0xaf: {  	[dreg:$0x3] =	wrdreg s5  }
0xb0: {  	[dreg:$0x4] =	wrdreg $0xC0  }
0xb1: {  	_ =	task [dreg:s7], $0x5FFFF  }
0xb2: {  	[dreg:$0x1] =	wrdreg $0xFFFFFFFF  }
0xb3: {  	[dreg:$0x0] =	wrdreg $0x60  }
0xb4: {  	[dreg:$0x2] =	wrdreg s24  }
0xb5: {  	[dreg:$0x3] =	wrdreg s16  }
0xb6: {  	[dreg:$0x4] =	wrdreg $0xB5500  }
0xb7: {  	[dreg:$0x5] =	wrdreg $0x9  }
0xb8: {  	_ =	task.clear_ibuf [dreg:s7], $0x6FFFF;
	_ =	strace $0x90000046  }
0xb9: {  	s29 =	simm.s32 $0x9;
	_ =	strace $0x80000048  }
0xba: {  	_ =	swait.ge [sflag:s29], $0x1  }
0xbb: {  	[sflag:s29] =	ssyncadd.s32 $0xFFFFFFFF  }
0xbc: {  	_ =	strace $0x90000048  }
0xbd: {  	_ =	sfence  }
0xbe: {  	s30 =	sld [smem:$0x0];
	_ =	sdelay $0x2  }
0xbf: {  	s31 =	sshll.u32 s1, $0xD;
	s1 =	sshrl.u32 s1, $0x2  }
0xc0: {  	s3 =	sand.u32 $0x4000, s31;
	s1 =	sadd.s32 s1, s30  }
0xc1: {  	s0 =	sor.u32 s3, s0;
	s1 =	sshll.u32 s1, $0x11  }
0xc2: {  	s0 =	sor.u32 s1, s0  }
0xc3: {  	s0 =	sadd.s32 $0x8F2B, s0  }
0xc4: {  	[sflag:s0] =	ssyncadd.remote.s32 $0x1  }
0xc5: {  	_ =	sfence.sel $0xFFFF  }
0xc6: {  	[dreg:$0x0] =	wrdreg $0xFFFFFFFF;
	(pc) =	sbr.abs _section_cstart, $3  }
0xc7: {  	[dreg:$0x1] =	wrdreg $0xFFFFFFFF  }
0xc8: {  	_ =	task.clear_ibuf [dreg:s7], $0x2FFFF;
	_ =	strace $0x9FFFFFFF  }
0xc9: {  	(tm) =	ssettm $0x7FFFFFFF  }
tec
execute0_lowered:
.L_overlay_start_1:
0x0: {  	(tag) =	ssettag $0x1  }
0x1: {  	s0 =	rddreg [dreg:$0x0]  }
0x2: {  	s12 =	stileid.u32;
	s4 =	rddreg [dreg:$0x1]  }
0x3: {  	s1 =	srdreg.scid;
	s2 =	rddreg [dreg:$0x2]  }
0x4: {  	s29 =	simm.s32 $0x4B00;
	s30 =	simm.s32 $0x2;
	s28 =	simm.s32 $0x4  }
0x5: {  	s31 =	simm.s32 $0x6;
	s1 =	sand.u32 $0x1, s1;
	s3 =	sshll.u32 s12, $0x1  }
0x6: {  	s5 =	smul.u32 $0x1E848, s12;
	s9 =	sadd.s32 $0x23200, s0;
	s10 =	sadd.s32 $0x1200, s0  }
0x7: {  	s21 =	smul.u32 $0x61A80, s12;
	p0 =	sgt.u32 s12, $0x7;
	s6 =	sor.u32 s1, s3  }
0x8: {  	s3 =	simm.s32 $0x0;
	s15 =	ssub.s32 $0x2, s1;
	s1 =	smul.u32 $0x30D40, s1  }
0x9: {  	s7 =	smul.u32 $0x640, s6;
	[smem:$0x7FF] =	sst s3;
	s8 =	sshrl.u32 s5, $0x3  }
0xa: {  	s16 =	sshll.u32 s6, $0x1;
	s11 =	sshrl.u32 s15, $0x1;
	s17 =	smul.u32 $0x186A00, s6  }
0xb: {  	s5 =	sadd.s32 s5, s2;
	_ =	strace $0x80000047;
	[dreg:$0x4] =	wrdreg s9  }
0xc: {  	s6 =	smul.u32 $0x30D40, s6;
	s8 =	sadd.s32 s8, s0;
	[dreg:$0x5] =	wrdreg s10  }
0xd: {  	s9 =	ssub.s32 s15, s11;
	s7 =	sshrl.u32 s7, $0x3;
	s8 =	sadd.s32 $0x1400, s8  }
0xe: {  	s19 =	sshrl.u32 s17, $0x3;
	s6 =	sadd.s32 s4, s6;
	s26 =	smax.u32 s9, $0x1  }
0xf: {  	s9 =	simm.s32 $0x0;
	s7 =	sadd.s32 s7, s0;
	[dreg:$0x6] =	wrdreg s8  }
0x10: {  	s0 =	sadd.s32 s16, s0;
	[dreg:$0x9] =	wrdreg s6;
	s20 =	sadd.s32 s4, s19  }
0x11: {  	s4 =	sadd.s32 s21, s4;
	[dreg:$0xf] =	wrdreg s26;
	s18 =	sadd.s32 $0x1FE00, s7  }
0x12: {  	s19 =	simm.s32 $0xD;
	s7 =	sadd.s32 $0x21800, s7;
	[dreg:$0x7] =	wrdreg s18  }
0x13: {  	s26 =	simm.s32 $0x1;
	s22 =	sadd.s32 $0x3E8, s20;
	[dreg:$0x8] =	wrdreg s7  }
0x14: {  	s21 =	simm.s32 $0x5;
	s23 =	sadd.s32 $0x7D0, s20;
	[dreg:$0xa] =	wrdreg s22  }
0x15: {  	s8 =	simm.s32 $0xB;
	s24 =	sadd.s32 $0xBB8, s20;
	[dreg:$0xb] =	wrdreg s23  }
0x16: {  	s6 =	sadd.s32 $0xFA0, s20;
	s0 =	sadd.s32 $0x41C00, s0;
	[dreg:$0xc] =	wrdreg s24  }
0x17: {  	s25 =	sadd.s32 s1, s4;
	s20 =	simm.s32 $0x640;
	[dreg:$0xd] =	wrdreg s6  }
0x18: {  	s1 =	simm.s32 $0x6A40;
	s4 =	simm.s32 $0x7;
	[dreg:$0xe] =	wrdreg s0  }
0x19: {  	s10 =	sadd.s32 $0x1388, s25;
	s0 =	sshll.u32 @!p0 s12, $0x6;
	s18 =	sshrl.u32 @!p0 s5, $0x3  }
0x1a: {  	s23 =	simm.s32 $0x8;
	s24 =	simm.s32 $0xC80;
	s25 =	simm.s32 $0x2BC0  }
0x1b: {  	s22 =	simm.s32 $0x8980;
	s5 =	simm.s32 $0x9;
	s6 =	simm.s32 $0xA  }
0x1c: {  	s7 =	simm.s32 $0xC;
	s17 =	sor.u32 @!p0 $0x1C0D, s0;
	s0 =	simm.s32 $0x3  }
.LBB2_1:
0x1d: {  	s11 =	rddreg [dreg:$0x6]  }
0x1e: {  	[spmem:s18], [sflag:s17] =	dma.local @!p0 [hbm:s11], $0x3D09  }
0x1f: {  	s11 =	simm.s32 @!p0 $0xD  }
0x20: {  	_ =	swait.ge @!p0 [sflag:s11], $0x3D09  }
0x21: {  	[sflag:s11] =	ssyncset.done @!p0 $0x0  }
0x22: {  	s12 =	rddreg [dreg:$0x7];
	[sflag:s11] =	ssyncadd.s32 @!p0 $0xFFFFC2F7  }
0x23: {  	[tilespmem:s3], [sflag:$0xD] =	stream.linear.gather [hbm4b:s12+s3], $0x640, $0x38;
	[tilespmem:$0x1A978] =	vst v63  }
0x24: {  	_ =	swait.ge [sflag:s19], $0x640  }
0x25: {  	[sflag:s19] =	ssyncset.done $0x0  }
0x26: {  	s13 =	rddreg [dreg:$0x8];
	[sflag:s19] =	ssyncadd.s32 $0xFFFFF9C0  }
0x27: {  	[tilespmem:s20], [sflag:$0xD] =	stream.linear.gather [hbm4b:s13+s3], $0x640, $0x38;
	[tilespmem:$0x1A978] =	vst v63  }
0x28: {  	_ =	swait.ge [sflag:s19], $0x640  }
0x29: {  	[sflag:s19] =	ssyncset.done $0x0  }
0x2a: {  	s12 =	simm.s32 $0xA8C0;
	s14 =	rddreg [dreg:$0x5];
	[sflag:s19] =	ssyncadd.s32 $0xFFFFF9C0  }
0x2b: {  	[tilespmem:s12], [sflag:$0xC] =	stream.indirect.gather [hbm4b:s14+s20], $0x1, s3, s20, $0xb8;
	[tilespmem:$0x1A978] =	vst v63  }
0x2c: {  	s16 =	simm.s32 $0xAF00;
	s15 =	rddreg [dreg:$0x4]  }
0x2d: {  	[tilespmem:s16], [sflag:$0xB] =	stream.indirect.gather [hbm4b:s15+s20], $0x1, s20, s20, $0xb8;
	[tilespmem:$0x1A978] =	vst v63  }
0x2e: {  	[bflag:$0x0] =	sbarrier.arrive $0xFFFF  }
0x2f: {  	[tilespmem:s24], [sflag:$0x1] =	stream.indirect.gather [spmem:s2], $0x3E8, s3, s23, $0xb8;
	[tilespmem:$0x1A978] =	vst v63  }
0x30: {  	_ = 	snop  }
0x31: {  	[tilespmem:s25], [sflag:$0x2] =	stream.indirect.gather [spmem:s2], $0x3E8, s23, s23, $0xb8;
	[tilespmem:$0x1A978] =	vst v63  }
0x32: {  	_ =	swait.ge [sflag:s26], $0x1F40  }
0x33: {  	[sflag:s26] =	ssyncset.done $0x0  }
0x34: {  	s12 =	rddreg [dreg:$0x9];
	[sflag:s26] =	ssyncadd.s32 $0xFFFFE0C0  }
0x35: {  	[hbm4b:s12+s3] =	stream.linear.scatter [tilespmem:s24], [sflag:$0x6], $0x1F40, $0x38;
	[tilespmem:$0x1A978] =	vst v63  }
0x36: {  	s13 =	simm.s32 $0x10  }
0x37: {  	[tilespmem:s29], [sflag:$0x3] =	stream.indirect.gather [spmem:s2], $0x3E8, s13, s23, $0xb8;
	[tilespmem:$0x1A978] =	vst v63  }
0x38: {  	_ =	swait.ge [sflag:s30], $0x1F40  }
0x39: {  	[sflag:s30] =	ssyncset.done $0x0  }
0x3a: {  	s14 =	rddreg [dreg:$0xa];
	[sflag:s30] =	ssyncadd.s32 $0xFFFFE0C0  }
0x3b: {  	[hbm4b:s14+s3] =	stream.linear.scatter [tilespmem:s25], [sflag:$0x7], $0x1F40, $0x38;
	[tilespmem:$0x1A978] =	vst v63  }
0x3c: {  	s15 =	simm.s32 $0x18  }
0x3d: {  	[tilespmem:s1], [sflag:$0x4] =	stream.indirect.gather [spmem:s2], $0x3E8, s15, s23, $0xb8;
	[tilespmem:$0x1A978] =	vst v63  }
0x3e: {  	_ =	swait.ge [sflag:s0], $0x1F40  }
0x3f: {  	[sflag:s0] =	ssyncset.done $0x0  }
0x40: {  	s16 =	rddreg [dreg:$0xb];
	[sflag:s0] =	ssyncadd.s32 $0xFFFFE0C0  }
0x41: {  	[hbm4b:s16+s3] =	stream.linear.scatter [tilespmem:s29], [sflag:$0x8], $0x1F40, $0x38;
	[tilespmem:$0x1A978] =	vst v63  }
0x42: {  	s12 =	simm.s32 $0x20  }
0x43: {  	[tilespmem:s22], [sflag:$0x5] =	stream.indirect.gather [spmem:s2], $0x3E8, s12, s23, $0xb8;
	[tilespmem:$0x1A978] =	vst v63  }
0x44: {  	_ =	swait.ge [sflag:s28], $0x1F40  }
0x45: {  	[sflag:s28] =	ssyncset.done $0x0  }
0x46: {  	s13 =	rddreg [dreg:$0xc];
	[sflag:s28] =	ssyncadd.s32 $0xFFFFE0C0  }
0x47: {  	[hbm4b:s13+s3] =	stream.linear.scatter [tilespmem:s1], [sflag:$0x9], $0x1F40, $0x38;
	[tilespmem:$0x1A978] =	vst v63  }
0x48: {  	_ =	swait.ge [sflag:s31], $0x1F40  }
0x49: {  	[sflag:s31] =	ssyncset.done $0x0  }
0x4a: {  	s14 =	simm.s32 $0x28;
	[sflag:s31] =	ssyncadd.s32 $0xFFFFE0C0  }
0x4b: {  	[tilespmem:s24], [sflag:$0x1] =	stream.indirect.gather [spmem:s2], $0x3E8, s14, s23, $0xb8;
	[tilespmem:$0x1A978] =	vst v63  }
0x4c: {  	_ =	swait.ge [sflag:s21], $0x1F40  }
0x4d: {  	[sflag:s21] =	ssyncset.done $0x0  }
0x4e: {  	s15 =	rddreg [dreg:$0xd];
	[sflag:s21] =	ssyncadd.s32 $0xFFFFE0C0  }
0x4f: {  	[hbm4b:s15+s3] =	stream.linear.scatter [tilespmem:s22], [sflag:$0xA], $0x1F40, $0x38;
	[tilespmem:$0x1A978] =	vst v63  }
0x50: {  	_ =	swait.ge [sflag:s4], $0x1F40  }
0x51: {  	[sflag:s4] =	ssyncset.done $0x0  }
0x52: {  	s16 =	simm.s32 $0x30;
	[sflag:s4] =	ssyncadd.s32 $0xFFFFE0C0  }
0x53: {  	[tilespmem:s25], [sflag:$0x2] =	stream.indirect.gather [spmem:s2], $0x3E8, s16, s23, $0xb8;
	[tilespmem:$0x1A978] =	vst v63  }
0x54: {  	s11 =	simm.s32 $0x0;
	s16 =	smov.u32 s10  }
.LBB2_2:
0x55: {  	_ =	swait.ge [sflag:s26], $0x1F40  }
0x56: {  	[sflag:s26] =	ssyncset.done $0x0  }
0x57: {  	[sflag:s26] =	ssyncadd.s32 $0xFFFFE0C0  }
0x58: {  	[hbm4b:s16+s3] =	stream.linear.scatter [tilespmem:s24], [sflag:$0x6], $0x1F40, $0x38;
	[tilespmem:$0x1A978] =	vst v63  }
0x59: {  	_ =	swait.ge [sflag:s23], $0x1F40  }
0x5a: {  	s12 =	sshra.s32 s11, $0x2;
	[sflag:s23] =	ssyncset.done $0x0  }
0x5b: {  	s13 =	sadd.s32 $0x38, s12;
	[sflag:s23] =	ssyncadd.s32 $0xFFFFE0C0  }
0x5c: {  	[tilespmem:s29], [sflag:$0x3] =	stream.indirect.gather [spmem:s2], $0x3E8, s13, s23, $0xb8;
	[tilespmem:$0x1A978] =	vst v63  }
0x5d: {  	_ =	swait.ge [sflag:s30], $0x1F40  }
0x5e: {  	[sflag:s30] =	ssyncset.done $0x0  }
0x5f: {  	s14 =	sadd.s32 $0x3E8, s16;
	[sflag:s30] =	ssyncadd.s32 $0xFFFFE0C0  }
0x60: {  	[hbm4b:s14+s3] =	stream.linear.scatter [tilespmem:s25], [sflag:$0x7], $0x1F40, $0x38;
	[tilespmem:$0x1A978] =	vst v63  }
0x61: {  	_ =	swait.ge [sflag:s5], $0x1F40  }
0x62: {  	[sflag:s5] =	ssyncset.done $0x0  }
0x63: {  	s15 =	sadd.s32 $0x40, s12;
	[sflag:s5] =	ssyncadd.s32 $0xFFFFE0C0  }
0x64: {  	[tilespmem:s1], [sflag:$0x4] =	stream.indirect.gather [spmem:s2], $0x3E8, s15, s23, $0xb8;
	[tilespmem:$0x1A978] =	vst v63  }
0x65: {  	_ =	swait.ge [sflag:s0], $0x1F40  }
0x66: {  	[sflag:s0] =	ssyncset.done $0x0  }
0x67: {  	s14 =	sadd.s32 $0x7D0, s16;
	[sflag:s0] =	ssyncadd.s32 $0xFFFFE0C0  }
0x68: {  	[hbm4b:s14+s3] =	stream.linear.scatter [tilespmem:s29], [sflag:$0x8], $0x1F40, $0x38;
	[tilespmem:$0x1A978] =	vst v63  }
0x69: {  	_ =	swait.ge [sflag:s6], $0x1F40  }
0x6a: {  	[sflag:s6] =	ssyncset.done $0x0  }
0x6b: {  	s15 =	sadd.s32 $0x48, s12;
	[sflag:s6] =	ssyncadd.s32 $0xFFFFE0C0  }
0x6c: {  	[tilespmem:s22], [sflag:$0x5] =	stream.indirect.gather [spmem:s2], $0x3E8, s15, s23, $0xb8;
	[tilespmem:$0x1A978] =	vst v63  }
0x6d: {  	_ =	swait.ge [sflag:s28], $0x1F40  }
0x6e: {  	[sflag:s28] =	ssyncset.done $0x0  }
0x6f: {  	p1 =	seq.s32 s11, $0x17C0;
	s14 =	sadd.s32 $0xBB8, s16;
	[sflag:s28] =	ssyncadd.s32 $0xFFFFE0C0  }
0x70: {  	[hbm4b:s14+s3] =	stream.linear.scatter [tilespmem:s1], [sflag:$0x9], $0x1F40, $0x38;
	[tilespmem:$0x1A978] =	vst v63  }
0x71: {  	s13 =	sshra.s32 @!p1 s11, $0x2;
	_ =	swait.ge [sflag:s31], $0x1F40  }
0x72: {  	s13 =	sadd.s32 @!p1 $0x50, s13;
	[sflag:s31] =	ssyncset.done $0x0  }
0x73: {  	s15 =	simm.s32 @!p1 $0xC80;
	s14 =	simm.s32 @!p1 $0x8;
	[sflag:s31] =	ssyncadd.s32 $0xFFFFE0C0  }
0x74: {  	[tilespmem:s15], [sflag:$0x1] =	stream.indirect.gather @!p1 [spmem:s2], $0x3E8, s13, s14, $0xb8;
	[tilespmem:$0x1A978] =	vst v63  }
0x75: {  	_ =	swait.ge [sflag:s21], $0x1F40  }
0x76: {  	[sflag:s21] =	ssyncset.done $0x0  }
.Ltmp0:
0x77: {  	s15 =	sadd.s32 $0xFA0, s16;
	[sflag:s21] =	ssyncadd.s32 $0xFFFFE0C0;
	(pc) =	sbr.rel @p1 .LBB2_4-.Ltmp0, $4  }
0x78: {  	[hbm4b:s15+s3] =	stream.linear.scatter [tilespmem:s22], [sflag:$0xA], $0x1F40, $0x38;
	[tilespmem:$0x1A978] =	vst v63  }
0x79: {  	_ =	swait.ge [sflag:s4], $0x1F40  }
0x7a: {  	[sflag:s4] =	ssyncset.done $0x0  }
0x7b: {  	[sflag:s4] =	ssyncadd.s32 $0xFFFFE0C0  }
.Ltmp1:
0x7c: {  	(pc) =	sbr.rel .LBB2_2-.Ltmp1, $3  }
0x7d: {  	_ =	sdelay $0x1  }
0x7e: {  	s12 =	sadd.s32 $0x58, s12;
	s11 =	sadd.s32 $0xA0, s11;
	s16 =	sadd.s32 $0x1388, s16  }
0x7f: {  	[tilespmem:s25], [sflag:$0x2] =	stream.indirect.gather [spmem:s2], $0x3E8, s12, s23, $0xb8;
	[tilespmem:$0x1A978] =	vst v63  }
.LBB2_4:
0x80: {  	_ =	swait.ge [sflag:s23], $0x1F40  }
0x81: {  	[sflag:s23] =	ssyncset.done $0x0  }
0x82: {  	[sflag:s23] =	ssyncadd.s32 $0xFFFFE0C0  }
0x83: {  	_ =	swait.ge [sflag:s5], $0x1F40  }
0x84: {  	[sflag:s5] =	ssyncset.done $0x0  }
0x85: {  	[sflag:s5] =	ssyncadd.s32 $0xFFFFE0C0  }
0x86: {  	_ =	swait.ge [sflag:s6], $0x1F40  }
0x87: {  	[sflag:s6] =	ssyncset.done $0x0  }
0x88: {  	[sflag:s6] =	ssyncadd.s32 $0xFFFFE0C0  }
0x89: {  	_ =	swait.ge [sflag:s7], $0x640  }
0x8a: {  	[sflag:s7] =	ssyncset.done $0x0  }
0x8b: {  	[sflag:s7] =	ssyncadd.s32 $0xFFFFF9C0  }
0x8c: {  	_ =	swait.ge [sflag:s8], $0x640  }
0x8d: {  	[sflag:s8] =	ssyncset.done $0x0  }
0x8e: {  	s12 =	simm.s32 $0x0;
	[sflag:s8] =	ssyncadd.s32 $0xFFFFF9C0  }
0x8f: {  	v1 =	vld [tilespmem:s12+$0xA8C0]  }
0x90: {  	v0 =	vimm.f32 $0.0e+00;
	s11 =	simm.s32 $0x40;
	v2 =	vld [tilespmem:s12+$0xAF00]  }
.LBB2_5:
0x91: {  	_ = 	snop  }
0x92: {  	p1 =	sne.s32 s11, $0x18C0  }
.Ltmp2:
0x93: {  	_ = 	snop;
	(pc) =	sbr.rel @p1 .LBB2_5-.Ltmp2, $4  }
0x94: {  	_ = 	snop  }
0x95: {  	s12 =	sshra.s32 s11, $0x2;
	v3 =	vsub.f32 v1, v2  }
0x96: {  	v1 =	vld [tilespmem:s12+$0xA8C0]  }
0x97: {  	s11 =	sadd.s32 $0x40, s11;
	v2 =	vld [tilespmem:s12+$0xAF00];
	v0 =	vadd.f32 v3, v0  }
0x98: {  	_ =	sdelay $0x3  }
0x99: {  	v1 =	vsub.f32 v1, v2;
	_ =	sdelay $0x1  }
0x9a: {  	v0 =	vadd.f32 v1, v0;
	_ =	sdelay $0x1  }
0x9b: {  	s11 =	rddreg [dreg:$0xe];
	s12 =	simm.s32 $0xB540;
	[tilespmem:$0xB540] =	vst v0  }
0x9c: {  	[hbm4b:s11+s3] =	stream.linear.scatter [tilespmem:s12], [sflag:$0xD], $0x10, $0x38;
	[tilespmem:$0x1A978] =	vst v63  }
0x9d: {  	_ =	swait.ge [sflag:s19], $0x10  }
0x9e: {  	s9 =	sadd.s32 $0x1, s9;
	s16 =	rddreg [dreg:$0xf]  }
0x9f: {  	p1 =	sne.s32 s9, s16  }
.Ltmp3:
0xa0: {  	_ = 	snop;
	(pc) =	sbr.rel @p1 .LBB2_1-.Ltmp3, $3  }
0xa1: {  	_ =	sdelay $0x1  }
0xa2: {  	[sflag:s19] =	ssyncset.done $0x0  }
0xa3: {  	[sflag:s19] =	ssyncadd.s32 $0xFFFFFFF0  }
0xa4: {  	_ =	sfence.sel $0x180000  }
0xa5: {  	[bflag:$0x0] =	sbarrier.arrive $0xFFFF  }
0xa6: {  	_ =	strace $0x90000047  }
0xa7: {  	s0 =	stileid.u32;
	[bflag:$0x2] =	sbarrier.arrive $0xFFFF  }
0xa8: {  	p0 =	sne.s32 s0, $0x0;
	s0 =	rddreg [dreg:$0x3]  }
0xa9: {  	s0 =	sadd.s32 @!p0 $0x100000, s0  }
0xaa: {  	[sflag:s0] =	ssyncadd.tile.s32 @!p0 $0x1;
	_ =	shalt  }
.Lfunc_end2:
_tile_overlayer_lowered:
.L_overlay_start_2:
0xab: {  	(tag) =	ssettag $0x2  }
0xac: {  	s0 =	rddreg [dreg:$0x0];
	s2 =	stileid.u32  }
0xad: {  	s1 =	rddreg [dreg:$0x1];
	p0 =	sne.s32 s2, $0x0  }
0xae: {  	s3 =	rddreg [dreg:$0x2];
	[bflag:$0x3] =	sbarrier.arrive $0xFFFF;
	s2 =	simm.s32 @!p0 $0x1C0D  }
0xaf: {  	[timem:s3], [sflag:s2] =	dma.local @!p0 [hbm:s0], s1  }
0xb0: {  	s0 =	simm.s32 @!p0 $0xD  }
0xb1: {  	_ =	swait.ge @!p0 [sflag:s0], s1  }
0xb2: {  	s1 =	ssub.s32 @!p0 $0x0, s1;
	[sflag:s0] =	ssyncset.done @!p0 $0x0  }
0xb3: {  	[sflag:s0] =	ssyncadd.s32 @!p0 s1  }
0xb4: {  	[bflag:$0x3] =	sbarrier.arrive $0xFFFF  }
0xb5: {  	_ =	shalt  }

// kernel: sparse-core-data-format-call.cloned.1.call-start
scs
called_computation_lowered:
.L_overlay_start_0:
0x0: {  	s2 =	sld [smem:$0x3FD9]  }
0x1: {  	s3 =	sld [smem:$0x3FFE];
	_ =	sdelay $0x1  }
0x2: {  	s1 =	srdreg.scid  }
0x3: {  	s0 =	sand.u32 $0x1, s1  }
0x4: {  	s15 =	sshll.u32 s0, $0xA;
	s2 =	sadd.s32 s3, s2  }
0x5: {  	s2 =	sadd.s32 s2, s15  }
0x6: {  	[smem:$0x3FC5] =	sst s2  }
0x7: {  	_ = 	snop  }
0x8: {  	s2 =	sld [smem:$0x3FD0];
	_ =	sdelay $0x2  }
0x9: {  	s16 =	simm.s32 $0xA;
	s4 =	simm.s32 $0x10  }
0xa: {  	[smem:s4], [sflag:s16] =	dma.local [hbm:s2], $0x1  }
0xb: {  	_ =	swait.eq [sflag:s16], $0x1  }
0xc: {  	[sflag:s16] =	ssyncset.done $0x0  }
0xd: {  	[sflag:s16] =	ssyncadd.s32 $0xFFFFFFFF  }
0xe: {  	s17 =	sld [smem:$0x10];
	(tm) =	ssettm $0x1  }
0xf: {  	s18 =	sld [smem:$0x3FFB];
	_ =	sdelay $0x3  }
0x10: {  	_ =	strace s18  }
0x11: {  	s3 =	sld [smem:$0x3FFC];
	_ =	sdelay $0x3  }
0x12: {  	_ =	strace s3  }
0x13: {  	s3 =	sld [smem:$0x3FFD];
	_ =	sdelay $0x3  }
0x14: {  	_ =	strace s3  }
0x15: {  	_ =	strace $0x8FFFFFFF  }
0x16: {  	s19 =	sld [smem:$0x3FDB];
	_ =	sdelay $0x1  }
0x17: {  	s20 =	simm.s32 $_scs_section_size  }
0x18: {  	s5 =	simm.s32 $_size__tile_overlayer_lowered;
	s6 =	simm.s32 $_tile_overlayer_lowered  }
0x19: {  	s23 =	simm.s32 $0x1BFF;
	s22 =	sshll.u32 s6, $0x1;
	s3 =	sadd.s32 s20, s19  }
0x1a: {  	s7 =	simm.s32 $0x0;
	s21 =	sshll.u32 s5, $0x1;
	s5 =	sadd.s32 s22, s3  }
0x1b: {  	[timem:s7], [sflag:s23] =	dma.local [hbm:s5], s21  }
0x1c: {  	_ =	swait.ge [sflag:s23], s21  }
0x1d: {  	s4 =	ssub.s32 $0x0, s21;
	[sflag:s23] =	ssyncset.done $0x0  }
0x1e: {  	[sflag:s23] =	ssyncadd.s32 s4;
	_ =	sdelay $0x1  }
0x1f: {  	s24 =	simm.s32 $0x1B8B  }
0x20: {  	_ =	swait.ge [sflag:s24], $0x1  }
0x21: {  	[sflag:s24] =	ssyncset.done $0x0  }
0x22: {  	s26 =	simm.s32 $0x1B8E;
	s25 =	sld [smem:$0x3FFE];
	[sflag:s24] =	ssyncadd.s32 $0xFFFFFFFF  }
0x23: {  	s27 =	simm.s32 $execute0_lowered;
	[smem:$0x3FD2] =	sst s26  }
0x24: {  	s5 =	sshll.u32 s27, $0x1;
	_ =	strace $0x80000049;
	[dreg:$0x1] =	wrdreg $0xFFFFFFFF  }
0x25: {  	s28 =	simm.s32 $_size_execute0_lowered;
	s3 =	sadd.s32 s3, s5;
	[dreg:$0x0] =	wrdreg $0x0  }
0x26: {  	s5 =	sshll.u32 s28, $0x1;
	[dreg:$0x2] =	wrdreg s3  }
0x27: {  	[dreg:$0x3] =	wrdreg s5  }
0x28: {  	[dreg:$0x4] =	wrdreg $0xC0  }
0x29: {  	_ =	task [dreg:s7], $0x5FFFF  }
0x2a: {  	[dreg:$0x1] =	wrdreg $0xFFFFFFFF  }
0x2b: {  	[dreg:$0x0] =	wrdreg $0x60  }
0x2c: {  	[dreg:$0x2] =	wrdreg s25  }
0x2d: {  	[dreg:$0x3] =	wrdreg s17  }
0x2e: {  	[dreg:$0x4] =	wrdreg $0x9  }
0x2f: {  	_ =	task.clear_ibuf [dreg:s7], $0x5FFFF;
	_ =	strace $0x90000049  }
0x30: {  	s29 =	simm.s32 $0x9;
	_ =	strace $0x8000004B  }
0x31: {  	_ =	swait.ge [sflag:s29], $0x1  }
0x32: {  	[sflag:s29] =	ssyncadd.s32 $0xFFFFFFFF  }
0x33: {  	_ =	strace $0x9000004B  }
0x34: {  	_ =	sfence  }
0x35: {  	s30 =	sld [smem:$0x0];
	_ =	sdelay $0x2  }
0x36: {  	s31 =	sshll.u32 s1, $0xD;
	s1 =	sshrl.u32 s1, $0x2  }
0x37: {  	s3 =	sand.u32 $0x4000, s31;
	s1 =	sadd.s32 s1, s30  }
0x38: {  	s0 =	sor.u32 s3, s0;
	s1 =	sshll.u32 s1, $0x11  }
0x39: {  	s0 =	sor.u32 s1, s0  }
0x3a: {  	s0 =	sadd.s32 $0x8F2B, s0  }
0x3b: {  	[sflag:s0] =	ssyncadd.remote.s32 $0x1  }
0x3c: {  	_ =	sfence.sel $0xFFFF  }
0x3d: {  	[dreg:$0x0] =	wrdreg $0xFFFFFFFF;
	(pc) =	sbr.abs _section_cstart, $3  }
0x3e: {  	[dreg:$0x1] =	wrdreg $0xFFFFFFFF  }
0x3f: {  	_ =	task.clear_ibuf [dreg:s7], $0x2FFFF;
	_ =	strace $0x9FFFFFFF  }
0x40: {  	(tm) =	ssettm $0x7FFFFFFF  }
0x41: {  	_ =	shalt  }
tec
execute0_lowered:
.L_overlay_start_1:
0x0: {  	(tag) =	ssettag $0x1  }
0x1: {  	s4 =	rddreg [dreg:$0x0]  }
0x2: {  	s0 =	stileid.u32;
	s2 =	rddreg [dreg:$0x1]  }
0x3: {  	s7 =	srdreg.scid;
	s31 =	simm.s32 $0x2;
	s17 =	simm.s32 $0x0  }
0x4: {  	s9 =	simm.s32 $0x2000;
	s19 =	simm.s32 $0x0;
	s18 =	simm.s32 $0x0  }
0x5: {  	s10 =	simm.s32 $0x0;
	s11 =	simm.s32 $0x0;
	s1 =	sshll.u32 s0, $0x7  }
0x6: {  	s12 =	simm.s32 $0x0;
	s14 =	simm.s32 $0x0;
	s3 =	sand.u32 $0x380, s1  }
0x7: {  	s16 =	simm.s32 $0x0;
	s4 =	sadd.s32 $0x41E00, s4;
	s5 =	ssub.s32 $0x400, s3  }
0x8: {  	s8 =	sshll.u32 s0, $0x4;
	s7 =	sshll.u32 s7, $0x8;
	s6 =	sand.u32 $0x380, s5  }
0x9: {  	s1 =	rddreg [dreg:$0x2];
	p0 =	sne.s32 s6, $0x0;
	s6 =	simm.s32 $0x1  }
.Ltmp0:
0xa: {  	s5 =	sshrl.u32 s5, $0xA;
	s6 =	simm.s32 @!p0 $0x0;
	(pc) =	sbr.rel .LBB1_1-.Ltmp0, $4  }
0xb: {  	_ =	strace $0x8000004A;
	s7 =	sor.u32 s8, s7;
	s6 =	sadd.s32 s6, s5  }
0xc: {  	s7 =	sand.u32 $0x180, s7;
	s5 =	simm.s32 $0x1;
	s6 =	smul.u32 $0x64, s6  }
0xd: {  	s15 =	smov.u32 s3;
	s13 =	smov.u32 s7;
	[sflag:s5] =	ssyncpa.u1 $0x0  }
0xe: {  	p0 =	por $0x0, $0x0;
	[sflag:s31] =	ssyncpa.u1 $0x0;
	s8 =	sor.u32 $0x1, s6  }
.LBB1_4:
0xf: {  	s25 =	sshll.u32 s10, $0xA;
	s24 =	sshra.s32 s24, $0x2;
	s26 =	sshll.u32 s12, $0x3  }
0x10: {  	p1 =	sgt.s32 s11, $0x31;
	s27 =	smov.u32 s11;
	s28 =	sshra.s32 s11, $0x1F  }
0x11: {  	p2 =	sgt.s32 s12, $0x380;
	s31 =	sshra.s32 s12, $0x1F;
	s25 =	sand.u32 $0xFFFFE000, s25  }
0x12: {  	s26 =	sand.u32 $0xFFFFFC00, s26;
	s27 =	simm.s32 @!p1 $0x31;
	s28 =	sand.u32 s28, s11  }
0x13: {  	[tilespmem:s22+$0x2040 ss:$0x81] =	vst.msk $0xffff, v4;
	s23 =	sadd.s32 s24, s23;
	s29 =	sadd.s32 s26, s25;
	s25 =	ssub.s32 s27, s28  }
0x14: {  	[tilespmem:s22+$0x2850 ss:$0x81] =	vst.msk $0xffff, v3;
	s27 =	smov.u32 s12;
	s28 =	smov.u32 s10;
	s26 =	sand.u32 s31, s12  }
0x15: {  	[tilespmem:s22+$0x3060 ss:$0x81] =	vst.msk $0xffff, v2;
	s24 =	sshrl.u32 s29, $0xA;
	s30 =	sadd.s32 $0xFFFFFFCF, s25;
	s27 =	simm.s32 @!p2 $0x380  }
0x16: {  	v5 =	vld [tilespmem:s21+$0xFFFFFFD0];
	[tilespmem:s22+$0x0 ss:$0x81] =	vst.msk $0xffff, v1;
	p2 =	sgt.s32 s10, $0x368;
	s29 =	sshra.s32 s10, $0x1F;
	s22 =	ssub.s32 $0x32, s25  }
0x17: {  	v58 =	vld [tilespmem:s21+$0xFFFFFFE0];
	p1 =	sgt.s32 s30, $0x0;
	s28 =	simm.s32 @!p2 $0x368;
	s29 =	sand.u32 s29, s10  }
0x18: {  	v59 =	vld [tilespmem:s21+$0xFFFFFFF0];
	s26 =	ssub.s32 s27, s26;
	s27 =	smulhi.u32 $0x418938, s24;
	s28 =	ssub.s32 s28, s29  }
0x19: {  	v60 =	vld [tilespmem:s21+$0x0];
	s30 =	sadd.s32 $0xFFFFFC80, s26;
	s25 =	ssub.s32 $0x400, s26;
	s22 =	simm.s32 @p1 $0x0  }
0x1a: {  	v61 =	vld [tilespmem:s21+$0x10];
	[tilespmem:s23+$0x3870 ss:$0x81] =	vst.msk $0xffff, v0;
	s29 =	sand.u32 $0x78, s12;
	p2 =	sgt.s32 s30, $0x7F;
	s31 =	sadd.s32 $0xFFFFFC98, s28  }
0x1b: {  	v62 =	vld [tilespmem:s21+$0x20];
	[tilespmem:s23+$0x810 ss:$0x81] =	vst.msk $0xffff, v5;
	s27 =	smul.u32 $0x3E8, s27;
	s30 =	sshll.u32 s10, $0x7;
	s28 =	ssub.s32 $0x3E8, s28  }
0x1c: {  	v63 =	vld [tilespmem:s21+$0xFFFFFFC0];
	[tilespmem:s23+$0x1020 ss:$0x81] =	vst.msk $0xffff, v58;
	s25 =	simm.s32 @p2 $0x0;
	p1 =	sgt.s32 s31, $0x7F;
	s31 =	smul.u32 $0x1F400, s11  }
0x1d: {  	[tilespmem:s23+$0x1830 ss:$0x81] =	vst.msk $0xffff, v59;
	s21 =	sand.u32 $0x380, s30;
	s22 =	smul.u32 s25, s22;
	s28 =	simm.s32 @p1 $0x0  }
0x1e: {  	[tilespmem:s23+$0x2040 ss:$0x81] =	vst.msk $0xffff, v60;
	s21 =	sor.u32 s29, s21;
	s24 =	ssub.s32 s24, s27;
	s29 =	sand.u32 $0x7, s12  }
0x1f: {  	[tilespmem:s23+$0x2850 ss:$0x81] =	vst.msk $0xffff, v61;
	s21 =	sshrl.u32 s21, $0x3;
	s25 =	sadd.s32 s2, s31;
	s22 =	smul.u32 s28, s22  }
0x20: {  	[tilespmem:s23+$0x3060 ss:$0x81] =	vst.msk $0xffff, v62;
	s24 =	sshll.u32 s24, $0x7;
	s30 =	sshll.u32 s29, $0x12;
	s21 =	sadd.s32 s21, s25  }
0x21: {  	[tilespmem:s23+$0x0 ss:$0x81] =	vst.msk $0xffff, v63;
	s31 =	sor.u32 $0x400, s30;
	s21 =	sadd.s32 s24, s21;
	s22 =	sand.u32 $0x3FFFFFFF, s22  }
0x22: {  	[hbm4b:s21+s31] =	stream.strided.scatter [tilespmem:s20], [sflag:$0x2], s22, s9, s31, $0x20;
	[tilespmem:$0x10100] =	vst v63  }
.LBB1_5:
0x23: {  	p1 =	slt.u32 s16, $0x2  }
0x24: {  	p2 =	sgt.s32 @!p1 s19, $0x31  }
0x25: {  	s20 =	smov.u32 s19;
	s21 =	sshra.s32 @!p1 s19, $0x1F;
	p2 =	por !p2, p1  }
0x26: {  	s19 =	sand.u32 @!p1 s21, s19;
	s20 =	simm.s32 @p2 $0x31  }
0x27: {  	p3 =	sgt.s32 @!p1 s17, $0x368;
	s19 =	ssub.s32 @!p1 s20, s19  }
0x28: {  	p4 =	sgt.s32 @!p1 s18, $0x380;
	s22 =	sshra.s32 @!p1 s18, $0x1F;
	s20 =	sadd.s32 @!p1 $0xFFFFFFCF, s19  }
0x29: {  	s21 =	smov.u32 s17;
	p2 =	sgt.s32 @!p1 s20, $0x0;
	s20 =	sshra.s32 @!p1 s17, $0x1F  }
0x2a: {  	p4 =	por !p4, p1;
	s17 =	sand.u32 @!p1 s20, s17;
	s20 =	smov.u32 s18  }
0x2b: {  	p3 =	por !p3, p1;
	s18 =	sand.u32 @!p1 s22, s18;
	s20 =	simm.s32 @p4 $0x380  }
0x2c: {  	s21 =	simm.s32 @p3 $0x368;
	s19 =	ssub.s32 @!p1 $0x32, s19;
	s18 =	ssub.s32 @!p1 s20, s18  }
0x2d: {  	p2 =	por !p2, p1;
	s17 =	ssub.s32 @!p1 s21, s17;
	s21 =	sadd.s32 @!p1 $0xFFFFFC80, s18  }
0x2e: {  	s19 =	simm.s32 @!p2 $0x0;
	p3 =	sgt.s32 @!p1 s21, $0x7F  }
0x2f: {  	s20 =	sadd.s32 @!p1 $0xFFFFFC98, s17;
	s18 =	ssub.s32 @!p1 $0x400, s18;
	p3 =	por !p3, p1  }
0x30: {  	p2 =	sgt.s32 @!p1 s20, $0x7F;
	s20 =	sadd.s32 $0x200, s13;
	s18 =	simm.s32 @!p3 $0x0  }
0x31: {  	p3 =	sgt.s32 s20, $0x3E7;
	s18 =	smul.u32 @!p1 s18, s19;
	s19 =	simm.s32 $0x1  }
0x32: {  	s17 =	ssub.s32 @!p1 $0x3E8, s17;
	p2 =	por !p2, p1;
	s19 =	simm.s32 @!p3 $0x0  }
0x33: {  	s22 =	smov.u32 s15;
	s17 =	simm.s32 @!p2 $0x0;
	s21 =	sadd.s32 s19, s14  }
0x34: {  	s17 =	smul.u32 @!p1 s17, s18;
	s18 =	sadd.s32 $0x400, s15;
	p2 =	sgt.s32 s21, $0x31  }
0x35: {  	p0 =	por !p0, !p0;
	s23 =	simm.s32 @!p1 $0x2;
	s22 =	smov.u32 @p2 s18  }
0x36: {  	s20 =	smov.u32 @p3 s7;
	s21 =	simm.s32 @p2 $0x0;
	p2 =	sgt.s32 s22, $0x3FF  }
0x37: {  	s19 =	smov.u32 s11;
	s22 =	smov.u32 @p2 s3;
	p2 =	sne.s32 s16, s8  }
.Ltmp1:
0x38: {  	s11 =	smov.u32 s14;
	s17 =	sand.u32 @!p1 $0x3FFFFFFF, s17;
	(pc) =	sbr.rel @!p2 .LBB1_6-.Ltmp1, $4  }
0x39: {  	s18 =	smov.u32 s12;
	s12 =	smov.u32 s15;
	_ =	swait.ge @!p1 [sflag:s23], s17  }
0x3a: {  	s24 =	ssub.s32 @!p1 $0x0, s17;
	s17 =	smov.u32 s10;
	s10 =	smov.u32 s13  }
0x3b: {  	s13 =	smov.u32 s20;
	s14 =	smov.u32 s21;
	[sflag:s23] =	ssyncset.done @!p1 $0x0  }
0x3c: {  	s16 =	sadd.s32 $0x1, s16;
	[sflag:s23] =	ssyncadd.s32 @!p1 s24;
	s15 =	smov.u32 s22  }
.LBB1_1:
0x3d: {  	p1 =	sge.u32 s16, s6  }
0x3e: {  	s20 =	sshll.u32 @!p1 s14, $0xA  }
0x3f: {  	s21 =	sshll.u32 @!p1 s13, $0x3;
	s20 =	sand.u32 @!p1 $0xFFFFE000, s20  }
0x40: {  	s20 =	sadd.s32 @!p1 s20, s21  }
0x41: {  	s20 =	sshrl.u32 @!p1 s20, $0xA  }
0x42: {  	s21 =	smulhi.u32 @!p1 $0x4924925, s20  }
0x43: {  	s22 =	sshll.u32 @!p1 s14, $0x7;
	s24 =	smul.u32 @!p1 $0x1C00, s15  }
0x44: {  	s23 =	sand.u32 @!p1 $0x78, s13;
	s22 =	sand.u32 @!p1 $0x380, s22;
	s21 =	smul.u32 @!p1 $0x38, s21  }
0x45: {  	s31 =	sadd.s32 $0xFFFFFFFF, s16;
	s22 =	sor.u32 @!p1 s23, s22;
	s23 =	sadd.s32 @!p1 s4, s24  }
0x46: {  	s22 =	sshrl.u32 @!p1 s22, $0x3;
	s20 =	ssub.s32 @!p1 s20, s21;
	s21 =	sxor.u32 @!p1 $0xFFFFFFFF, s16  }
0x47: {  	s22 =	sadd.s32 @!p1 s22, s23;
	s23 =	sand.u32 @!p1 $0x7, s13;
	s21 =	sshll.u32 @!p1 s21, $0xE  }
0x48: {  	s23 =	sshll.u32 @!p1 s23, $0x12;
	s20 =	sshll.u32 @!p1 s20, $0x7;
	s21 =	sand.u32 @!p1 $0x4000, s21  }
0x49: {  	s20 =	sadd.s32 @!p1 s20, s22;
	s22 =	sor.u32 @!p1 $0x80, s23;
	s23 =	simm.s32 @!p1 $0xE000  }
0x4a: {  	[tilespmem:s21], [sflag:$0x1] =	stream.strided.gather @!p1 [hbm4b:s20+s22], $0x4000, s23, s22, $0x38;
	[tilespmem:$0x10100] =	vst v63  }
0x4b: {  	p1 =	sge.u32 s31, s6  }
.Ltmp2:
0x4c: {  	_ = 	snop;
	(pc) =	sbr.rel @p1 .LBB1_5-.Ltmp2, $1  }
0x4d: {  	_ =	sdelay $0x3  }
0x4e: {  	s20 =	simm.s32 $0x1  }
0x4f: {  	_ =	swait.ge [sflag:s5], $0x4000;
	s20 =	simm.s32 @!p0 $0x0  }
0x50: {  	[sflag:s5] =	ssyncset.done $0x0;
	s21 =	sshll.u32 s20, $0xE  }
0x51: {  	[sflag:s5] =	ssyncadd.s32 $0xFFFFC000;
	s21 =	sor.u32 $0x40, s21  }
0x52: {  	s20 =	smul.u32 $0x10200, s20;
	v0 =	vld [tilespmem:s21+$0x30]  }
0x53: {  	v1 =	vld [tilespmem:s21+$0xFFFFFFD0]  }
0x54: {  	s20 =	sshrl.u32 s20, $0x2;
	v5 =	vld [tilespmem:s21+$0xFFFFFFE0]  }
0x55: {  	v6 =	vld [tilespmem:s21+$0xFFFFFFF0];
	s23 =	sor.u32 $0x8000, s20  }
0x56: {  	s31 =	sand.u32 $0x1, s16;
	v4 =	vld [tilespmem:s21+$0x0];
	s22 =	sadd.s32 $0x0, s23  }
0x57: {  	v3 =	vld [tilespmem:s21+$0x10];
	s20 =	smul.u32 $0x10200, s31;
	[tilespmem:s22+$0x3870 ss:$0x81] =	vst.msk $0xffff, v0  }
0x58: {  	v2 =	vld [tilespmem:s21+$0x20];
	[tilespmem:s22+$0x810 ss:$0x81] =	vst.msk $0xffff, v1  }
0x59: {  	s20 =	sshrl.u32 s20, $0x2;
	v1 =	vld [tilespmem:s21+$0xFFFFFFC0];
	[tilespmem:s22+$0x1020 ss:$0x81] =	vst.msk $0xffff, v5;
	s21 =	sadd.s32 $0x80, s21  }
0x5a: {  	s24 =	simm.s32 $0x4;
	s25 =	simm.s32 $0x8;
	s20 =	sor.u32 $0x8000, s20;
	[tilespmem:s22+$0x1830 ss:$0x81] =	vst.msk $0xffff, v6;
	v0 =	vld [tilespmem:s21+$0x30]  }
.LBB1_3:
0x5b: {  	p1 =	sne.s32 s25, $0x1FC;
	v5 =	vld [tilespmem:s21+$0xFFFFFFD0];
	[tilespmem:s22+$0x2040 ss:$0x81] =	vst.msk $0xffff, v4  }
0x5c: {  	v6 =	vld [tilespmem:s21+$0xFFFFFFE0];
	[tilespmem:s22+$0x2850 ss:$0x81] =	vst.msk $0xffff, v3  }
0x5d: {  	s26 =	sshra.s32 s24, $0x2;
	s24 =	smov.u32 s25;
	v7 =	vld [tilespmem:s21+$0xFFFFFFF0];
	[tilespmem:s22+$0x3060 ss:$0x81] =	vst.msk $0xffff, v2  }
.Ltmp3:
0x5e: {  	v4 =	vld [tilespmem:s21+$0x0];
	[tilespmem:s22+$0x0 ss:$0x81] =	vst.msk $0xffff, v1;
	s22 =	sadd.s32 s26, s23;
	(pc) =	sbr.rel @p1 .LBB1_3-.Ltmp3, $4  }
0x5f: {  	v3 =	vld [tilespmem:s21+$0x10];
	[tilespmem:s22+$0x3870 ss:$0x81] =	vst.msk $0xffff, v0  }
0x60: {  	[tilespmem:s22+$0x810 ss:$0x81] =	vst.msk $0xffff, v5;
	v2 =	vld [tilespmem:s21+$0x20]  }
0x61: {  	v1 =	vld [tilespmem:s21+$0xFFFFFFC0];
	[tilespmem:s22+$0x1020 ss:$0x81] =	vst.msk $0xffff, v6;
	s21 =	sadd.s32 $0x80, s21  }
0x62: {  	s25 =	sadd.s32 $0x4, s25;
	v0 =	vld [tilespmem:s21+$0x30];
	[tilespmem:s22+$0x1830 ss:$0x81] =	vst.msk $0xffff, v7  }
.Ltmp4:
0x63: {  	_ = 	snop;
	(pc) =	sbr.rel .LBB1_4-.Ltmp4, $1  }
0x64: {  	_ =	sdelay $0x3  }
.LBB1_6:
0x65: {  	_ =	sfence.sel $0x180000  }
0x66: {  	s2 =	simm.s32 $0x1;
	[bflag:$0x0] =	sbarrier.arrive $0xFFFF  }
0x67: {  	s31 =	simm.s32 $0x2;
	[sflag:s2] =	ssyncpa.u1 $0x1  }
0x68: {  	[sflag:s31] =	ssyncpa.u1 $0x1  }
0x69: {  	p0 =	sne.s32 s0, $0x0;
	_ =	strace $0x9000004A  }
0x6a: {  	s0 =	sadd.s32 @!p0 $0x100000, s1;
	[bflag:$0x2] =	sbarrier.arrive $0xFFFF  }
0x6b: {  	[sflag:s0] =	ssyncadd.tile.s32 @!p0 $0x1;
	_ =	shalt  }
.Lfunc_end1:
_tile_overlayer_lowered:
.L_overlay_start_2:
0x6c: {  	(tag) =	ssettag $0x2  }
0x6d: {  	s0 =	rddreg [dreg:$0x0];
	s2 =	stileid.u32  }
0x6e: {  	s1 =	rddreg [dreg:$0x1];
	p0 =	sne.s32 s2, $0x0  }
0x6f: {  	s3 =	rddreg [dreg:$0x2];
	[bflag:$0x3] =	sbarrier.arrive $0xFFFF;
	s2 =	simm.s32 @!p0 $0x1C01  }
0x70: {  	[timem:s3], [sflag:s2] =	dma.local @!p0 [hbm:s0], s1  }
0x71: {  	s0 =	simm.s32 @!p0 $0x1  }
0x72: {  	_ =	swait.ge @!p0 [sflag:s0], s1  }
0x73: {  	s1 =	ssub.s32 @!p0 $0x0, s1;
	[sflag:s0] =	ssyncset.done @!p0 $0x0  }
0x74: {  	[sflag:s0] =	ssyncadd.s32 @!p0 s1  }
0x75: {  	[bflag:$0x3] =	sbarrier.arrive $0xFFFF  }
0x76: {  	_ =	shalt  }

</sc_bundles>
